<compile_context>
chip_gen: v7x
topology: tpu7x:2x2x1
jax: 0.10.2.dev20260603
libtpu: 0.0.44.dev20260713+nightly
codegen_flags: <defaults>
</compile_context>

<pallas_src>
import jax
import jax.numpy as jnp
from jax import lax
from jax.experimental import pallas as pl
from jax.experimental.pallas import tpu as pltpu
from jax.experimental.pallas import tpu_sc as plsc

_C = 1000
_P = 16
_D = 512
_ROWS = _C * _P
_NC = 2
_NS = 16
_NW = _NC * _NS

_TC_BLK = 125
_TC_NCHUNK = _C // _TC_BLK


def _sc_idx_body(idx_hbm, idx_v):
    wid = lax.axis_index("s") * _NC + lax.axis_index("c")
    for i in range(32):
        idx_v[pl.ds(_P * i, _P)] = jnp.full((_P,), 32 * wid + i, jnp.int32)

    @pl.when(wid < _NW - 1)
    def _():
        pltpu.sync_copy(idx_v, idx_hbm.at[pl.ds(512 * wid, 512)])

    @pl.when(wid == _NW - 1)
    def _():
        pltpu.sync_copy(idx_v.at[pl.ds(0, 128)],
                        idx_hbm.at[pl.ds(512 * (_NW - 1), 128)])


def _tc_copy_body(in_any, out_any, buf, rsem, wsem):
    def rd(k):
        return pltpu.make_async_copy(in_any.at[pl.ds(k * _TC_BLK, _TC_BLK)],
                                     buf.at[k], rsem.at[k])

    def wr(k):
        return pltpu.make_async_copy(buf.at[k],
                                     out_any.at[pl.ds(k * _TC_BLK, _TC_BLK)],
                                     wsem.at[k])

    for k in range(_TC_NCHUNK):
        rd(k).start()
    for k in range(_TC_NCHUNK):
        rd(k).wait()
        wr(k).start()
    for k in range(_TC_NCHUNK):
        wr(k).wait()


def kernel(vision_protos):
    stacked = pl.pallas_call(
        _tc_copy_body,
        in_specs=[pl.BlockSpec(memory_space=pl.ANY)],
        out_specs=pl.BlockSpec(memory_space=pl.ANY),
        out_shape=jax.ShapeDtypeStruct((_C, _P, _D), jnp.float32),
        scratch_shapes=[
            pltpu.VMEM((_TC_NCHUNK, _TC_BLK, _P, _D), jnp.float32),
            pltpu.SemaphoreType.DMA((_TC_NCHUNK,)),
            pltpu.SemaphoreType.DMA((_TC_NCHUNK,)),
        ],
    )(vision_protos)

    class_idx = pl.kernel(
        _sc_idx_body,
        out_type=jax.ShapeDtypeStruct((_ROWS,), jnp.int32),
        mesh=plsc.VectorSubcoreMesh(core_axis_name="c", subcore_axis_name="s"),
        scratch_types=[pltpu.VMEM((512,), jnp.int32)],
    )()

    return (stacked.reshape(_ROWS, _D), class_idx)

# --- scband reference (transcript-rebuilt; emitter-appended) ---
"""Pipeline reference for scband-vision-prototype-learner-55731495633085 (READ-ONLY COPY).

The authoritative reference and input builder live on the scoring server;
editing this copy changes nothing except your own understanding.
"""

import jax, jax.numpy as jnp
import numpy as np

NUM_CLASSES = 1000
N_PROTO = 16
FEAT_DIM = 512


def setup_inputs(seed: int = 0) -> dict:
    key = jax.random.key(seed)
    k1 = jax.random.fold_in(key, 1)
    vision_protos = jax.random.normal(k1, (NUM_CLASSES, N_PROTO, FEAT_DIM), dtype=jnp.float32)
    return {"vision_protos": vision_protos}


def reference(vision_protos):
    # Faithful translation of VisionPrototypeLearner.get_all():
    #   for each class c (in order): take its [n_proto, feat_dim] parameter,
    #   build a class-index vector of length n_proto filled with i, then
    #   torch.cat over classes. Since every class has the same number of
    #   prototypes, the ParameterDict is materialized as a single stacked
    #   table [C, P, D]; concatenation in class order == reshape to [C*P, D].
    C, P, D = vision_protos.shape
    all_protos = vision_protos.reshape(C * P, D)
    class_idx = jnp.repeat(jnp.arange(C, dtype=jnp.int32), P)
    return (all_protos, class_idx)

if __name__ == "__main__":
    import jax
    _d = setup_inputs()
    print(jax.jit(kernel)(*tuple(_d.values())))

</pallas_src>

<mosaic_0001>
#map = affine_map<(d0, d1) -> (0)>
module attributes {stable_mosaic.version = 14 : i64} {
  func.func @_sc_idx_body(%arg0: i32, %arg1: i32, %arg2: memref<16000xi32, #tpu.memory_space<hbm>>, %arg3: memref<512xi32, #tpu.memory_space<vmem>>) attributes {dimension_semantics = [#tpu.dimension_semantics<core_parallel>, #tpu.dimension_semantics<subcore_parallel>], iteration_bounds = array<i64: 2, 16>, scalar_prefetch = 0 : i64, scratch_operands = 1 : i64, tpu.core_type = #tpu.core_type<sc_vector_subcore>, window_params = [{transform_indices = #map}]} {
    %mul3A = arith.constant 2 : i32
    %mul3A_0 = arith.muli %arg1, %mul3A : i32
    %add3A = arith.addi %mul3A_0, %arg0 : i32
    %mul3A_1 = arith.constant 32 : i32
    %mul3A_2 = arith.muli %mul3A_1, %add3A : i32
    %add3A_3 = arith.constant 0 : i32
    %add3A_4 = arith.addi %mul3A_2, %add3A_3 : i32
    %broadcast_in_dim3A = vector.broadcast %add3A_4 : i32 to vector<16xi32>
    %swap3A = arith.constant 0 : index
    %swap3A_5 = tpu.vector_load %arg3[%swap3A] {strides = array<i32>} : memref<512xi32, #tpu.memory_space<vmem>>, vector<16xi32>,
    %swap3A_6 = vector.shape_cast %swap3A_5 : vector<16xi32> to vector<16xi32>
    %swap3A_7 = vector.shape_cast %broadcast_in_dim3A : vector<16xi32> to vector<16xi32>
    tpu.vector_store %arg3[%swap3A], %swap3A_7 {strides = array<i32>} : memref<512xi32, #tpu.memory_space<vmem>>, vector<16xi32>,
    %mul3A_8 = arith.constant 32 : i32
    %mul3A_9 = arith.muli %mul3A_8, %add3A : i32
    %add3A_10 = arith.constant 1 : i32
    %add3A_11 = arith.addi %mul3A_9, %add3A_10 : i32
    %broadcast_in_dim3A_12 = vector.broadcast %add3A_11 : i32 to vector<16xi32>
    %swap3A_13 = arith.constant 16 : index
    %swap3A_14 = tpu.vector_load %arg3[%swap3A_13] {strides = array<i32>} : memref<512xi32, #tpu.memory_space<vmem>>, vector<16xi32>,
    %swap3A_15 = vector.shape_cast %swap3A_14 : vector<16xi32> to vector<16xi32>
    %swap3A_16 = vector.shape_cast %broadcast_in_dim3A_12 : vector<16xi32> to vector<16xi32>
    tpu.vector_store %arg3[%swap3A_13], %swap3A_16 {strides = array<i32>} : memref<512xi32, #tpu.memory_space<vmem>>, vector<16xi32>,
    %mul3A_17 = arith.constant 32 : i32
    %mul3A_18 = arith.muli %mul3A_17, %add3A : i32
    %add3A_19 = arith.constant 2 : i32
    %add3A_20 = arith.addi %mul3A_18, %add3A_19 : i32
    %broadcast_in_dim3A_21 = vector.broadcast %add3A_20 : i32 to vector<16xi32>
    %swap3A_22 = arith.constant 32 : index
    %swap3A_23 = tpu.vector_load %arg3[%swap3A_22] {strides = array<i32>} : memref<512xi32, #tpu.memory_space<vmem>>, vector<16xi32>,
    %swap3A_24 = vector.shape_cast %swap3A_23 : vector<16xi32> to vector<16xi32>
    %swap3A_25 = vector.shape_cast %broadcast_in_dim3A_21 : vector<16xi32> to vector<16xi32>
    tpu.vector_store %arg3[%swap3A_22], %swap3A_25 {strides = array<i32>} : memref<512xi32, #tpu.memory_space<vmem>>, vector<16xi32>,
    %mul3A_26 = arith.constant 32 : i32
    %mul3A_27 = arith.muli %mul3A_26, %add3A : i32
    %add3A_28 = arith.constant 3 : i32
    %add3A_29 = arith.addi %mul3A_27, %add3A_28 : i32
    %broadcast_in_dim3A_30 = vector.broadcast %add3A_29 : i32 to vector<16xi32>
    %swap3A_31 = arith.constant 48 : index
    %swap3A_32 = tpu.vector_load %arg3[%swap3A_31] {strides = array<i32>} : memref<512xi32, #tpu.memory_space<vmem>>, vector<16xi32>,
    %swap3A_33 = vector.shape_cast %swap3A_32 : vector<16xi32> to vector<16xi32>
    %swap3A_34 = vector.shape_cast %broadcast_in_dim3A_30 : vector<16xi32> to vector<16xi32>
    tpu.vector_store %arg3[%swap3A_31], %swap3A_34 {strides = array<i32>} : memref<512xi32, #tpu.memory_space<vmem>>, vector<16xi32>,
    %mul3A_35 = arith.constant 32 : i32
    %mul3A_36 = arith.muli %mul3A_35, %add3A : i32
    %add3A_37 = arith.constant 4 : i32
    %add3A_38 = arith.addi %mul3A_36, %add3A_37 : i32
    %broadcast_in_dim3A_39 = vector.broadcast %add3A_38 : i32 to vector<16xi32>
    %swap3A_40 = arith.constant 64 : index
    %swap3A_41 = tpu.vector_load %arg3[%swap3A_40] {strides = array<i32>} : memref<512xi32, #tpu.memory_space<vmem>>, vector<16xi32>,
    %swap3A_42 = vector.shape_cast %swap3A_41 : vector<16xi32> to vector<16xi32>
    %swap3A_43 = vector.shape_cast %broadcast_in_dim3A_39 : vector<16xi32> to vector<16xi32>
    tpu.vector_store %arg3[%swap3A_40], %swap3A_43 {strides = array<i32>} : memref<512xi32, #tpu.memory_space<vmem>>, vector<16xi32>,
    %mul3A_44 = arith.constant 32 : i32
    %mul3A_45 = arith.muli %mul3A_44, %add3A : i32
    %add3A_46 = arith.constant 5 : i32
    %add3A_47 = arith.addi %mul3A_45, %add3A_46 : i32
    %broadcast_in_dim3A_48 = vector.broadcast %add3A_47 : i32 to vector<16xi32>
    %swap3A_49 = arith.constant 80 : index
    %swap3A_50 = tpu.vector_load %arg3[%swap3A_49] {strides = array<i32>} : memref<512xi32, #tpu.memory_space<vmem>>, vector<16xi32>,
    %swap3A_51 = vector.shape_cast %swap3A_50 : vector<16xi32> to vector<16xi32>
    %swap3A_52 = vector.shape_cast %broadcast_in_dim3A_48 : vector<16xi32> to vector<16xi32>
    tpu.vector_store %arg3[%swap3A_49], %swap3A_52 {strides = array<i32>} : memref<512xi32, #tpu.memory_space<vmem>>, vector<16xi32>,
    %mul3A_53 = arith.constant 32 : i32
    %mul3A_54 = arith.muli %mul3A_53, %add3A : i32
    %add3A_55 = arith.constant 6 : i32
    %add3A_56 = arith.addi %mul3A_54, %add3A_55 : i32
    %broadcast_in_dim3A_57 = vector.broadcast %add3A_56 : i32 to vector<16xi32>
    %swap3A_58 = arith.constant 96 : index
    %swap3A_59 = tpu.vector_load %arg3[%swap3A_58] {strides = array<i32>} : memref<512xi32, #tpu.memory_space<vmem>>, vector<16xi32>,
    %swap3A_60 = vector.shape_cast %swap3A_59 : vector<16xi32> to vector<16xi32>
    %swap3A_61 = vector.shape_cast %broadcast_in_dim3A_57 : vector<16xi32> to vector<16xi32>
    tpu.vector_store %arg3[%swap3A_58], %swap3A_61 {strides = array<i32>} : memref<512xi32, #tpu.memory_space<vmem>>, vector<16xi32>,
    %mul3A_62 = arith.constant 32 : i32
    %mul3A_63 = arith.muli %mul3A_62, %add3A : i32
    %add3A_64 = arith.constant 7 : i32
    %add3A_65 = arith.addi %mul3A_63, %add3A_64 : i32
    %broadcast_in_dim3A_66 = vector.broadcast %add3A_65 : i32 to vector<16xi32>
    %swap3A_67 = arith.constant 112 : index
    %swap3A_68 = tpu.vector_load %arg3[%swap3A_67] {strides = array<i32>} : memref<512xi32, #tpu.memory_space<vmem>>, vector<16xi32>,
    %swap3A_69 = vector.shape_cast %swap3A_68 : vector<16xi32> to vector<16xi32>
    %swap3A_70 = vector.shape_cast %broadcast_in_dim3A_66 : vector<16xi32> to vector<16xi32>
    tpu.vector_store %arg3[%swap3A_67], %swap3A_70 {strides = array<i32>} : memref<512xi32, #tpu.memory_space<vmem>>, vector<16xi32>,
    %mul3A_71 = arith.constant 32 : i32
    %mul3A_72 = arith.muli %mul3A_71, %add3A : i32
    %add3A_73 = arith.constant 8 : i32
    %add3A_74 = arith.addi %mul3A_72, %add3A_73 : i32
    %broadcast_in_dim3A_75 = vector.broadcast %add3A_74 : i32 to vector<16xi32>
    %swap3A_76 = arith.constant 128 : index
    %swap3A_77 = tpu.vector_load %arg3[%swap3A_76] {strides = array<i32>} : memref<512xi32, #tpu.memory_space<vmem>>, vector<16xi32>,
    %swap3A_78 = vector.shape_cast %swap3A_77 : vector<16xi32> to vector<16xi32>
    %swap3A_79 = vector.shape_cast %broadcast_in_dim3A_75 : vector<16xi32> to vector<16xi32>
    tpu.vector_store %arg3[%swap3A_76], %swap3A_79 {strides = array<i32>} : memref<512xi32, #tpu.memory_space<vmem>>, vector<16xi32>,
    %mul3A_80 = arith.constant 32 : i32
    %mul3A_81 = arith.muli %mul3A_80, %add3A : i32
    %add3A_82 = arith.constant 9 : i32
    %add3A_83 = arith.addi %mul3A_81, %add3A_82 : i32
    %broadcast_in_dim3A_84 = vector.broadcast %add3A_83 : i32 to vector<16xi32>
    %swap3A_85 = arith.constant 144 : index
    %swap3A_86 = tpu.vector_load %arg3[%swap3A_85] {strides = array<i32>} : memref<512xi32, #tpu.memory_space<vmem>>, vector<16xi32>,
    %swap3A_87 = vector.shape_cast %swap3A_86 : vector<16xi32> to vector<16xi32>
    %swap3A_88 = vector.shape_cast %broadcast_in_dim3A_84 : vector<16xi32> to vector<16xi32>
    tpu.vector_store %arg3[%swap3A_85], %swap3A_88 {strides = array<i32>} : memref<512xi32, #tpu.memory_space<vmem>>, vector<16xi32>,
    %mul3A_89 = arith.constant 32 : i32
    %mul3A_90 = arith.muli %mul3A_89, %add3A : i32
    %add3A_91 = arith.constant 10 : i32
    %add3A_92 = arith.addi %mul3A_90, %add3A_91 : i32
    %broadcast_in_dim3A_93 = vector.broadcast %add3A_92 : i32 to vector<16xi32>
    %swap3A_94 = arith.constant 160 : index
    %swap3A_95 = tpu.vector_load %arg3[%swap3A_94] {strides = array<i32>} : memref<512xi32, #tpu.memory_space<vmem>>, vector<16xi32>,
    %swap3A_96 = vector.shape_cast %swap3A_95 : vector<16xi32> to vector<16xi32>
    %swap3A_97 = vector.shape_cast %broadcast_in_dim3A_93 : vector<16xi32> to vector<16xi32>
    tpu.vector_store %arg3[%swap3A_94], %swap3A_97 {strides = array<i32>} : memref<512xi32, #tpu.memory_space<vmem>>, vector<16xi32>,
    %mul3A_98 = arith.constant 32 : i32
    %mul3A_99 = arith.muli %mul3A_98, %add3A : i32
    %add3A_100 = arith.constant 11 : i32
    %add3A_101 = arith.addi %mul3A_99, %add3A_100 : i32
    %broadcast_in_dim3A_102 = vector.broadcast %add3A_101 : i32 to vector<16xi32>
    %swap3A_103 = arith.constant 176 : index
    %swap3A_104 = tpu.vector_load %arg3[%swap3A_103] {strides = array<i32>} : memref<512xi32, #tpu.memory_space<vmem>>, vector<16xi32>,
    %swap3A_105 = vector.shape_cast %swap3A_104 : vector<16xi32> to vector<16xi32>
    %swap3A_106 = vector.shape_cast %broadcast_in_dim3A_102 : vector<16xi32> to vector<16xi32>
    tpu.vector_store %arg3[%swap3A_103], %swap3A_106 {strides = array<i32>} : memref<512xi32, #tpu.memory_space<vmem>>, vector<16xi32>,
    %mul3A_107 = arith.constant 32 : i32
    %mul3A_108 = arith.muli %mul3A_107, %add3A : i32
    %add3A_109 = arith.constant 12 : i32
    %add3A_110 = arith.addi %mul3A_108, %add3A_109 : i32
    %broadcast_in_dim3A_111 = vector.broadcast %add3A_110 : i32 to vector<16xi32>
    %swap3A_112 = arith.constant 192 : index
    %swap3A_113 = tpu.vector_load %arg3[%swap3A_112] {strides = array<i32>} : memref<512xi32, #tpu.memory_space<vmem>>, vector<16xi32>,
    %swap3A_114 = vector.shape_cast %swap3A_113 : vector<16xi32> to vector<16xi32>
    %swap3A_115 = vector.shape_cast %broadcast_in_dim3A_111 : vector<16xi32> to vector<16xi32>
    tpu.vector_store %arg3[%swap3A_112], %swap3A_115 {strides = array<i32>} : memref<512xi32, #tpu.memory_space<vmem>>, vector<16xi32>,
    %mul3A_116 = arith.constant 32 : i32
    %mul3A_117 = arith.muli %mul3A_116, %add3A : i32
    %add3A_118 = arith.constant 13 : i32
    %add3A_119 = arith.addi %mul3A_117, %add3A_118 : i32
    %broadcast_in_dim3A_120 = vector.broadcast %add3A_119 : i32 to vector<16xi32>
    %swap3A_121 = arith.constant 208 : index
    %swap3A_122 = tpu.vector_load %arg3[%swap3A_121] {strides = array<i32>} : memref<512xi32, #tpu.memory_space<vmem>>, vector<16xi32>,
    %swap3A_123 = vector.shape_cast %swap3A_122 : vector<16xi32> to vector<16xi32>
    %swap3A_124 = vector.shape_cast %broadcast_in_dim3A_120 : vector<16xi32> to vector<16xi32>
    tpu.vector_store %arg3[%swap3A_121], %swap3A_124 {strides = array<i32>} : memref<512xi32, #tpu.memory_space<vmem>>, vector<16xi32>,
    %mul3A_125 = arith.constant 32 : i32
    %mul3A_126 = arith.muli %mul3A_125, %add3A : i32
    %add3A_127 = arith.constant 14 : i32
    %add3A_128 = arith.addi %mul3A_126, %add3A_127 : i32
    %broadcast_in_dim3A_129 = vector.broadcast %add3A_128 : i32 to vector<16xi32>
    %swap3A_130 = arith.constant 224 : index
    %swap3A_131 = tpu.vector_load %arg3[%swap3A_130] {strides = array<i32>} : memref<512xi32, #tpu.memory_space<vmem>>, vector<16xi32>,
    %swap3A_132 = vector.shape_cast %swap3A_131 : vector<16xi32> to vector<16xi32>
    %swap3A_133 = vector.shape_cast %broadcast_in_dim3A_129 : vector<16xi32> to vector<16xi32>
    tpu.vector_store %arg3[%swap3A_130], %swap3A_133 {strides = array<i32>} : memref<512xi32, #tpu.memory_space<vmem>>, vector<16xi32>,
    %mul3A_134 = arith.constant 32 : i32
    %mul3A_135 = arith.muli %mul3A_134, %add3A : i32
    %add3A_136 = arith.constant 15 : i32
    %add3A_137 = arith.addi %mul3A_135, %add3A_136 : i32
    %broadcast_in_dim3A_138 = vector.broadcast %add3A_137 : i32 to vector<16xi32>
    %swap3A_139 = arith.constant 240 : index
    %swap3A_140 = tpu.vector_load %arg3[%swap3A_139] {strides = array<i32>} : memref<512xi32, #tpu.memory_space<vmem>>, vector<16xi32>,
    %swap3A_141 = vector.shape_cast %swap3A_140 : vector<16xi32> to vector<16xi32>
    %swap3A_142 = vector.shape_cast %broadcast_in_dim3A_138 : vector<16xi32> to vector<16xi32>
    tpu.vector_store %arg3[%swap3A_139], %swap3A_142 {strides = array<i32>} : memref<512xi32, #tpu.memory_space<vmem>>, vector<16xi32>,
    %mul3A_143 = arith.constant 32 : i32
    %mul3A_144 = arith.muli %mul3A_143, %add3A : i32
    %add3A_145 = arith.constant 16 : i32
    %add3A_146 = arith.addi %mul3A_144, %add3A_145 : i32
    %broadcast_in_dim3A_147 = vector.broadcast %add3A_146 : i32 to vector<16xi32>
    %swap3A_148 = arith.constant 256 : index
    %swap3A_149 = tpu.vector_load %arg3[%swap3A_148] {strides = array<i32>} : memref<512xi32, #tpu.memory_space<vmem>>, vector<16xi32>,
    %swap3A_150 = vector.shape_cast %swap3A_149 : vector<16xi32> to vector<16xi32>
    %swap3A_151 = vector.shape_cast %broadcast_in_dim3A_147 : vector<16xi32> to vector<16xi32>
    tpu.vector_store %arg3[%swap3A_148], %swap3A_151 {strides = array<i32>} : memref<512xi32, #tpu.memory_space<vmem>>, vector<16xi32>,
    %mul3A_152 = arith.constant 32 : i32
    %mul3A_153 = arith.muli %mul3A_152, %add3A : i32
    %add3A_154 = arith.constant 17 : i32
    %add3A_155 = arith.addi %mul3A_153, %add3A_154 : i32
    %broadcast_in_dim3A_156 = vector.broadcast %add3A_155 : i32 to vector<16xi32>
    %swap3A_157 = arith.constant 272 : index
    %swap3A_158 = tpu.vector_load %arg3[%swap3A_157] {strides = array<i32>} : memref<512xi32, #tpu.memory_space<vmem>>, vector<16xi32>,
    %swap3A_159 = vector.shape_cast %swap3A_158 : vector<16xi32> to vector<16xi32>
    %swap3A_160 = vector.shape_cast %broadcast_in_dim3A_156 : vector<16xi32> to vector<16xi32>
    tpu.vector_store %arg3[%swap3A_157], %swap3A_160 {strides = array<i32>} : memref<512xi32, #tpu.memory_space<vmem>>, vector<16xi32>,
    %mul3A_161 = arith.constant 32 : i32
    %mul3A_162 = arith.muli %mul3A_161, %add3A : i32
    %add3A_163 = arith.constant 18 : i32
    %add3A_164 = arith.addi %mul3A_162, %add3A_163 : i32
    %broadcast_in_dim3A_165 = vector.broadcast %add3A_164 : i32 to vector<16xi32>
    %swap3A_166 = arith.constant 288 : index
    %swap3A_167 = tpu.vector_load %arg3[%swap3A_166] {strides = array<i32>} : memref<512xi32, #tpu.memory_space<vmem>>, vector<16xi32>,
    %swap3A_168 = vector.shape_cast %swap3A_167 : vector<16xi32> to vector<16xi32>
    %swap3A_169 = vector.shape_cast %broadcast_in_dim3A_165 : vector<16xi32> to vector<16xi32>
    tpu.vector_store %arg3[%swap3A_166], %swap3A_169 {strides = array<i32>} : memref<512xi32, #tpu.memory_space<vmem>>, vector<16xi32>,
    %mul3A_170 = arith.constant 32 : i32
    %mul3A_171 = arith.muli %mul3A_170, %add3A : i32
    %add3A_172 = arith.constant 19 : i32
    %add3A_173 = arith.addi %mul3A_171, %add3A_172 : i32
    %broadcast_in_dim3A_174 = vector.broadcast %add3A_173 : i32 to vector<16xi32>
    %swap3A_175 = arith.constant 304 : index
    %swap3A_176 = tpu.vector_load %arg3[%swap3A_175] {strides = array<i32>} : memref<512xi32, #tpu.memory_space<vmem>>, vector<16xi32>,
    %swap3A_177 = vector.shape_cast %swap3A_176 : vector<16xi32> to vector<16xi32>
    %swap3A_178 = vector.shape_cast %broadcast_in_dim3A_174 : vector<16xi32> to vector<16xi32>
    tpu.vector_store %arg3[%swap3A_175], %swap3A_178 {strides = array<i32>} : memref<512xi32, #tpu.memory_space<vmem>>, vector<16xi32>,
    %mul3A_179 = arith.constant 32 : i32
    %mul3A_180 = arith.muli %mul3A_179, %add3A : i32
    %add3A_181 = arith.constant 20 : i32
    %add3A_182 = arith.addi %mul3A_180, %add3A_181 : i32
    %broadcast_in_dim3A_183 = vector.broadcast %add3A_182 : i32 to vector<16xi32>
    %swap3A_184 = arith.constant 320 : index
    %swap3A_185 = tpu.vector_load %arg3[%swap3A_184] {strides = array<i32>} : memref<512xi32, #tpu.memory_space<vmem>>, vector<16xi32>,
    %swap3A_186 = vector.shape_cast %swap3A_185 : vector<16xi32> to vector<16xi32>
    %swap3A_187 = vector.shape_cast %broadcast_in_dim3A_183 : vector<16xi32> to vector<16xi32>
    tpu.vector_store %arg3[%swap3A_184], %swap3A_187 {strides = array<i32>} : memref<512xi32, #tpu.memory_space<vmem>>, vector<16xi32>,
    %mul3A_188 = arith.constant 32 : i32
    %mul3A_189 = arith.muli %mul3A_188, %add3A : i32
    %add3A_190 = arith.constant 21 : i32
    %add3A_191 = arith.addi %mul3A_189, %add3A_190 : i32
    %broadcast_in_dim3A_192 = vector.broadcast %add3A_191 : i32 to vector<16xi32>
    %swap3A_193 = arith.constant 336 : index
    %swap3A_194 = tpu.vector_load %arg3[%swap3A_193] {strides = array<i32>} : memref<512xi32, #tpu.memory_space<vmem>>, vector<16xi32>,
    %swap3A_195 = vector.shape_cast %swap3A_194 : vector<16xi32> to vector<16xi32>
    %swap3A_196 = vector.shape_cast %broadcast_in_dim3A_192 : vector<16xi32> to vector<16xi32>
    tpu.vector_store %arg3[%swap3A_193], %swap3A_196 {strides = array<i32>} : memref<512xi32, #tpu.memory_space<vmem>>, vector<16xi32>,
    %mul3A_197 = arith.constant 32 : i32
    %mul3A_198 = arith.muli %mul3A_197, %add3A : i32
    %add3A_199 = arith.constant 22 : i32
    %add3A_200 = arith.addi %mul3A_198, %add3A_199 : i32
    %broadcast_in_dim3A_201 = vector.broadcast %add3A_200 : i32 to vector<16xi32>
    %swap3A_202 = arith.constant 352 : index
    %swap3A_203 = tpu.vector_load %arg3[%swap3A_202] {strides = array<i32>} : memref<512xi32, #tpu.memory_space<vmem>>, vector<16xi32>,
    %swap3A_204 = vector.shape_cast %swap3A_203 : vector<16xi32> to vector<16xi32>
    %swap3A_205 = vector.shape_cast %broadcast_in_dim3A_201 : vector<16xi32> to vector<16xi32>
    tpu.vector_store %arg3[%swap3A_202], %swap3A_205 {strides = array<i32>} : memref<512xi32, #tpu.memory_space<vmem>>, vector<16xi32>,
    %mul3A_206 = arith.constant 32 : i32
    %mul3A_207 = arith.muli %mul3A_206, %add3A : i32
    %add3A_208 = arith.constant 23 : i32
    %add3A_209 = arith.addi %mul3A_207, %add3A_208 : i32
    %broadcast_in_dim3A_210 = vector.broadcast %add3A_209 : i32 to vector<16xi32>
    %swap3A_211 = arith.constant 368 : index
    %swap3A_212 = tpu.vector_load %arg3[%swap3A_211] {strides = array<i32>} : memref<512xi32, #tpu.memory_space<vmem>>, vector<16xi32>,
    %swap3A_213 = vector.shape_cast %swap3A_212 : vector<16xi32> to vector<16xi32>
    %swap3A_214 = vector.shape_cast %broadcast_in_dim3A_210 : vector<16xi32> to vector<16xi32>
    tpu.vector_store %arg3[%swap3A_211], %swap3A_214 {strides = array<i32>} : memref<512xi32, #tpu.memory_space<vmem>>, vector<16xi32>,
    %mul3A_215 = arith.constant 32 : i32
    %mul3A_216 = arith.muli %mul3A_215, %add3A : i32
    %add3A_217 = arith.constant 24 : i32
    %add3A_218 = arith.addi %mul3A_216, %add3A_217 : i32
    %broadcast_in_dim3A_219 = vector.broadcast %add3A_218 : i32 to vector<16xi32>
    %swap3A_220 = arith.constant 384 : index
    %swap3A_221 = tpu.vector_load %arg3[%swap3A_220] {strides = array<i32>} : memref<512xi32, #tpu.memory_space<vmem>>, vector<16xi32>,
    %swap3A_222 = vector.shape_cast %swap3A_221 : vector<16xi32> to vector<16xi32>
    %swap3A_223 = vector.shape_cast %broadcast_in_dim3A_219 : vector<16xi32> to vector<16xi32>
    tpu.vector_store %arg3[%swap3A_220], %swap3A_223 {strides = array<i32>} : memref<512xi32, #tpu.memory_space<vmem>>, vector<16xi32>,
    %mul3A_224 = arith.constant 32 : i32
    %mul3A_225 = arith.muli %mul3A_224, %add3A : i32
    %add3A_226 = arith.constant 25 : i32
    %add3A_227 = arith.addi %mul3A_225, %add3A_226 : i32
    %broadcast_in_dim3A_228 = vector.broadcast %add3A_227 : i32 to vector<16xi32>
    %swap3A_229 = arith.constant 400 : index
    %swap3A_230 = tpu.vector_load %arg3[%swap3A_229] {strides = array<i32>} : memref<512xi32, #tpu.memory_space<vmem>>, vector<16xi32>,
    %swap3A_231 = vector.shape_cast %swap3A_230 : vector<16xi32> to vector<16xi32>
    %swap3A_232 = vector.shape_cast %broadcast_in_dim3A_228 : vector<16xi32> to vector<16xi32>
    tpu.vector_store %arg3[%swap3A_229], %swap3A_232 {strides = array<i32>} : memref<512xi32, #tpu.memory_space<vmem>>, vector<16xi32>,
    %mul3A_233 = arith.constant 32 : i32
    %mul3A_234 = arith.muli %mul3A_233, %add3A : i32
    %add3A_235 = arith.constant 26 : i32
    %add3A_236 = arith.addi %mul3A_234, %add3A_235 : i32
    %broadcast_in_dim3A_237 = vector.broadcast %add3A_236 : i32 to vector<16xi32>
    %swap3A_238 = arith.constant 416 : index
    %swap3A_239 = tpu.vector_load %arg3[%swap3A_238] {strides = array<i32>} : memref<512xi32, #tpu.memory_space<vmem>>, vector<16xi32>,
    %swap3A_240 = vector.shape_cast %swap3A_239 : vector<16xi32> to vector<16xi32>
    %swap3A_241 = vector.shape_cast %broadcast_in_dim3A_237 : vector<16xi32> to vector<16xi32>
    tpu.vector_store %arg3[%swap3A_238], %swap3A_241 {strides = array<i32>} : memref<512xi32, #tpu.memory_space<vmem>>, vector<16xi32>,
    %mul3A_242 = arith.constant 32 : i32
    %mul3A_243 = arith.muli %mul3A_242, %add3A : i32
    %add3A_244 = arith.constant 27 : i32
    %add3A_245 = arith.addi %mul3A_243, %add3A_244 : i32
    %broadcast_in_dim3A_246 = vector.broadcast %add3A_245 : i32 to vector<16xi32>
    %swap3A_247 = arith.constant 432 : index
    %swap3A_248 = tpu.vector_load %arg3[%swap3A_247] {strides = array<i32>} : memref<512xi32, #tpu.memory_space<vmem>>, vector<16xi32>,
    %swap3A_249 = vector.shape_cast %swap3A_248 : vector<16xi32> to vector<16xi32>
    %swap3A_250 = vector.shape_cast %broadcast_in_dim3A_246 : vector<16xi32> to vector<16xi32>
    tpu.vector_store %arg3[%swap3A_247], %swap3A_250 {strides = array<i32>} : memref<512xi32, #tpu.memory_space<vmem>>, vector<16xi32>,
    %mul3A_251 = arith.constant 32 : i32
    %mul3A_252 = arith.muli %mul3A_251, %add3A : i32
    %add3A_253 = arith.constant 28 : i32
    %add3A_254 = arith.addi %mul3A_252, %add3A_253 : i32
    %broadcast_in_dim3A_255 = vector.broadcast %add3A_254 : i32 to vector<16xi32>
    %swap3A_256 = arith.constant 448 : index
    %swap3A_257 = tpu.vector_load %arg3[%swap3A_256] {strides = array<i32>} : memref<512xi32, #tpu.memory_space<vmem>>, vector<16xi32>,
    %swap3A_258 = vector.shape_cast %swap3A_257 : vector<16xi32> to vector<16xi32>
    %swap3A_259 = vector.shape_cast %broadcast_in_dim3A_255 : vector<16xi32> to vector<16xi32>
    tpu.vector_store %arg3[%swap3A_256], %swap3A_259 {strides = array<i32>} : memref<512xi32, #tpu.memory_space<vmem>>, vector<16xi32>,
    %mul3A_260 = arith.constant 32 : i32
    %mul3A_261 = arith.muli %mul3A_260, %add3A : i32
    %add3A_262 = arith.constant 29 : i32
    %add3A_263 = arith.addi %mul3A_261, %add3A_262 : i32
    %broadcast_in_dim3A_264 = vector.broadcast %add3A_263 : i32 to vector<16xi32>
    %swap3A_265 = arith.constant 464 : index
    %swap3A_266 = tpu.vector_load %arg3[%swap3A_265] {strides = array<i32>} : memref<512xi32, #tpu.memory_space<vmem>>, vector<16xi32>,
    %swap3A_267 = vector.shape_cast %swap3A_266 : vector<16xi32> to vector<16xi32>
    %swap3A_268 = vector.shape_cast %broadcast_in_dim3A_264 : vector<16xi32> to vector<16xi32>
    tpu.vector_store %arg3[%swap3A_265], %swap3A_268 {strides = array<i32>} : memref<512xi32, #tpu.memory_space<vmem>>, vector<16xi32>,
    %mul3A_269 = arith.constant 32 : i32
    %mul3A_270 = arith.muli %mul3A_269, %add3A : i32
    %add3A_271 = arith.constant 30 : i32
    %add3A_272 = arith.addi %mul3A_270, %add3A_271 : i32
    %broadcast_in_dim3A_273 = vector.broadcast %add3A_272 : i32 to vector<16xi32>
    %swap3A_274 = arith.constant 480 : index
    %swap3A_275 = tpu.vector_load %arg3[%swap3A_274] {strides = array<i32>} : memref<512xi32, #tpu.memory_space<vmem>>, vector<16xi32>,
    %swap3A_276 = vector.shape_cast %swap3A_275 : vector<16xi32> to vector<16xi32>
    %swap3A_277 = vector.shape_cast %broadcast_in_dim3A_273 : vector<16xi32> to vector<16xi32>
    tpu.vector_store %arg3[%swap3A_274], %swap3A_277 {strides = array<i32>} : memref<512xi32, #tpu.memory_space<vmem>>, vector<16xi32>,
    %mul3A_278 = arith.constant 32 : i32
    %mul3A_279 = arith.muli %mul3A_278, %add3A : i32
    %add3A_280 = arith.constant 31 : i32
    %add3A_281 = arith.addi %mul3A_279, %add3A_280 : i32
    %broadcast_in_dim3A_282 = vector.broadcast %add3A_281 : i32 to vector<16xi32>
    %swap3A_283 = arith.constant 496 : index
    %swap3A_284 = tpu.vector_load %arg3[%swap3A_283] {strides = array<i32>} : memref<512xi32, #tpu.memory_space<vmem>>, vector<16xi32>,
    %swap3A_285 = vector.shape_cast %swap3A_284 : vector<16xi32> to vector<16xi32>
    %swap3A_286 = vector.shape_cast %broadcast_in_dim3A_282 : vector<16xi32> to vector<16xi32>
    tpu.vector_store %arg3[%swap3A_283], %swap3A_286 {strides = array<i32>} : memref<512xi32, #tpu.memory_space<vmem>>, vector<16xi32>,
    %lt3A = arith.constant 31 : i32
    %lt3A_287 = arith.cmpi slt, %add3A, %lt3A : i32
    %convert_element_type3A = arith.extui %lt3A_287 : i1 to i32
    %cond3A = arith.constant 0 : i32
    %cond3A_288 = arith.cmpi ne, %convert_element_type3A, %cond3A : i32
    scf.if %cond3A_288 {
      %mul3A_293 = arith.constant 512 : i32
      %mul3A_294 = arith.muli %mul3A_293, %add3A : i32
      "tpu.region"() ({
        %run_scoped3A = tpu.sem_alloc : memref<!tpu.dma_semaphore, #tpu.memory_space<semaphore_mem>>
        %dma_start3A = tpu.memref_slice %arg2[%mul3A_294] : memref<16000xi32, #tpu.memory_space<hbm>> -> memref<512xi32, #tpu.memory_space<hbm>>
        %dma_start3A_295 = tpu.memref_slice %arg2[%mul3A_294] : memref<16000xi32, #tpu.memory_space<hbm>> -> memref<512xi32, #tpu.memory_space<hbm>>
        tpu.enqueue_dma source(%arg3 : memref<512xi32, #tpu.memory_space<vmem>>) target(%dma_start3A_295 : memref<512xi32, #tpu.memory_space<hbm>>) target_semaphore(%run_scoped3A : memref<!tpu.dma_semaphore, #tpu.memory_space<semaphore_mem>>)
        %dma_wait3A = tpu.memref_slice %arg2[%mul3A_294] : memref<16000xi32, #tpu.memory_space<hbm>> -> memref<512xi32, #tpu.memory_space<hbm>>
        %dma_wait3A_296 = tpu.memref_slice %arg2[%mul3A_294] : memref<16000xi32, #tpu.memory_space<hbm>> -> memref<512xi32, #tpu.memory_space<hbm>>
        tpu.wait_dma2 semaphore(%run_scoped3A : memref<!tpu.dma_semaphore, #tpu.memory_space<semaphore_mem>>) src(%arg3 : memref<512xi32, #tpu.memory_space<vmem>>) dst(%dma_wait3A_296 : memref<512xi32, #tpu.memory_space<hbm>>)
        tpu.yield
      }) : () -> ()
    } else {
    }
    %eq3A = arith.constant 31 : i32
    %eq3A_289 = arith.cmpi eq, %add3A, %eq3A : i32
    %convert_element_type3A_290 = arith.extui %eq3A_289 : i1 to i32
    %cond3A_291 = arith.constant 0 : i32
    %cond3A_292 = arith.cmpi ne, %convert_element_type3A_290, %cond3A_291 : i32
    scf.if %cond3A_292 {
      "tpu.region"() ({
        %run_scoped3A = tpu.sem_alloc : memref<!tpu.dma_semaphore, #tpu.memory_space<semaphore_mem>>
        %dma_start3A = arith.constant 0 : i32
        %dma_start3A_293 = tpu.memref_slice %arg3[%dma_start3A] : memref<512xi32, #tpu.memory_space<vmem>> -> memref<128xi32, #tpu.memory_space<vmem>>
        %dma_start3A_294 = arith.constant 15872 : i32
        %dma_start3A_295 = tpu.memref_slice %arg2[%dma_start3A_294] : memref<16000xi32, #tpu.memory_space<hbm>> -> memref<128xi32, #tpu.memory_space<hbm>>
        %dma_start3A_296 = arith.constant 15872 : i32
        %dma_start3A_297 = tpu.memref_slice %arg2[%dma_start3A_296] : memref<16000xi32, #tpu.memory_space<hbm>> -> memref<128xi32, #tpu.memory_space<hbm>>
        %dma_start3A_298 = arith.constant 0 : i32
        %dma_start3A_299 = tpu.memref_slice %arg3[%dma_start3A_298] : memref<512xi32, #tpu.memory_space<vmem>> -> memref<128xi32, #tpu.memory_space<vmem>>
        tpu.enqueue_dma source(%dma_start3A_299 : memref<128xi32, #tpu.memory_space<vmem>>) target(%dma_start3A_297 : memref<128xi32, #tpu.memory_space<hbm>>) target_semaphore(%run_scoped3A : memref<!tpu.dma_semaphore, #tpu.memory_space<semaphore_mem>>)
        %dma_wait3A = arith.constant 0 : i32
        %dma_wait3A_300 = tpu.memref_slice %arg3[%dma_wait3A] : memref<512xi32, #tpu.memory_space<vmem>> -> memref<128xi32, #tpu.memory_space<vmem>>
        %dma_wait3A_301 = arith.constant 15872 : i32
        %dma_wait3A_302 = tpu.memref_slice %arg2[%dma_wait3A_301] : memref<16000xi32, #tpu.memory_space<hbm>> -> memref<128xi32, #tpu.memory_space<hbm>>
        %dma_wait3A_303 = arith.constant 15872 : i32
        %dma_wait3A_304 = tpu.memref_slice %arg2[%dma_wait3A_303] : memref<16000xi32, #tpu.memory_space<hbm>> -> memref<128xi32, #tpu.memory_space<hbm>>
        %dma_wait3A_305 = arith.constant 0 : i32
        %dma_wait3A_306 = tpu.memref_slice %arg3[%dma_wait3A_305] : memref<512xi32, #tpu.memory_space<vmem>> -> memref<128xi32, #tpu.memory_space<vmem>>
        tpu.wait_dma2 semaphore(%run_scoped3A : memref<!tpu.dma_semaphore, #tpu.memory_space<semaphore_mem>>) src(%dma_wait3A_306 : memref<128xi32, #tpu.memory_space<vmem>>) dst(%dma_wait3A_304 : memref<128xi32, #tpu.memory_space<hbm>>)
        tpu.yield
      }) : () -> ()
    } else {
    }
    return
  }
}

module attributes {stable_mosaic.version = 14 : i64} {
  func.func @_tc_copy_body(%arg0: memref<1000x16x512xf32, #tpu.memory_space<any>>, %arg1: memref<1000x16x512xf32, #tpu.memory_space<any>>, %arg2: memref<8x125x16x512xf32, #tpu.memory_space<vmem>>, %arg3: memref<8x!tpu.dma_semaphore, #tpu.memory_space<semaphore_mem>>, %arg4: memref<8x!tpu.dma_semaphore, #tpu.memory_space<semaphore_mem>>) attributes {dimension_semantics = [], scalar_prefetch = 0 : i64, scratch_operands = 3 : i64, tpu.core_type = #tpu.core_type<tc>} {
    %dma_start3A = arith.constant 0 : i32
    %dma_start3A_0 = arith.constant 0 : i32
    %dma_start3A_1 = tpu.memref_slice %arg3[%dma_start3A_0] : memref<8x!tpu.dma_semaphore, #tpu.memory_space<semaphore_mem>> -> memref<1x!tpu.dma_semaphore, #tpu.memory_space<semaphore_mem>>
    %dma_start3A_2 = tpu.memref_squeeze %dma_start3A_1 : memref<1x!tpu.dma_semaphore, #tpu.memory_space<semaphore_mem>> -> memref<!tpu.dma_semaphore, #tpu.memory_space<semaphore_mem>>
    %dma_start3A_3 = arith.constant 0 : i32
    %dma_start3A_4 = arith.constant 0 : i32
    %dma_start3A_5 = arith.constant 0 : i32
    %dma_start3A_6 = tpu.memref_slice %arg2[%dma_start3A, %dma_start3A_3, %dma_start3A_4, %dma_start3A_5] : memref<8x125x16x512xf32, #tpu.memory_space<vmem>> -> memref<1x125x16x512xf32, #tpu.memory_space<vmem>>
    %dma_start3A_7 = tpu.memref_squeeze %dma_start3A_6 : memref<1x125x16x512xf32, #tpu.memory_space<vmem>> -> memref<125x16x512xf32, #tpu.memory_space<vmem>>
    %dma_start3A_8 = arith.constant 0 : i32
    %dma_start3A_9 = arith.constant 0 : i32
    %dma_start3A_10 = arith.constant 0 : i32
    %dma_start3A_11 = tpu.memref_slice %arg0[%dma_start3A_8, %dma_start3A_9, %dma_start3A_10] : memref<1000x16x512xf32, #tpu.memory_space<any>> -> memref<125x16x512xf32, #tpu.memory_space<any>>
    tpu.enqueue_dma source(%dma_start3A_11 : memref<125x16x512xf32, #tpu.memory_space<any>>) target(%dma_start3A_7 : memref<125x16x512xf32, #tpu.memory_space<vmem>>) target_semaphore(%dma_start3A_2 : memref<!tpu.dma_semaphore, #tpu.memory_space<semaphore_mem>>)
    %dma_start3A_12 = arith.constant 1 : i32
    %dma_start3A_13 = arith.constant 1 : i32
    %dma_start3A_14 = tpu.memref_slice %arg3[%dma_start3A_13] : memref<8x!tpu.dma_semaphore, #tpu.memory_space<semaphore_mem>> -> memref<1x!tpu.dma_semaphore, #tpu.memory_space<semaphore_mem>>
    %dma_start3A_15 = tpu.memref_squeeze %dma_start3A_14 : memref<1x!tpu.dma_semaphore, #tpu.memory_space<semaphore_mem>> -> memref<!tpu.dma_semaphore, #tpu.memory_space<semaphore_mem>>
    %dma_start3A_16 = arith.constant 0 : i32
    %dma_start3A_17 = arith.constant 0 : i32
    %dma_start3A_18 = arith.constant 0 : i32
    %dma_start3A_19 = tpu.memref_slice %arg2[%dma_start3A_12, %dma_start3A_16, %dma_start3A_17, %dma_start3A_18] : memref<8x125x16x512xf32, #tpu.memory_space<vmem>> -> memref<1x125x16x512xf32, #tpu.memory_space<vmem>>
    %dma_start3A_20 = tpu.memref_squeeze %dma_start3A_19 : memref<1x125x16x512xf32, #tpu.memory_space<vmem>> -> memref<125x16x512xf32, #tpu.memory_space<vmem>>
    %dma_start3A_21 = arith.constant 125 : i32
    %dma_start3A_22 = arith.constant 0 : i32
    %dma_start3A_23 = arith.constant 0 : i32
    %dma_start3A_24 = tpu.memref_slice %arg0[%dma_start3A_21, %dma_start3A_22, %dma_start3A_23] : memref<1000x16x512xf32, #tpu.memory_space<any>> -> memref<125x16x512xf32, #tpu.memory_space<any>>
    tpu.enqueue_dma source(%dma_start3A_24 : memref<125x16x512xf32, #tpu.memory_space<any>>) target(%dma_start3A_20 : memref<125x16x512xf32, #tpu.memory_space<vmem>>) target_semaphore(%dma_start3A_15 : memref<!tpu.dma_semaphore, #tpu.memory_space<semaphore_mem>>)
    %dma_start3A_25 = arith.constant 2 : i32
    %dma_start3A_26 = arith.constant 2 : i32
    %dma_start3A_27 = tpu.memref_slice %arg3[%dma_start3A_26] : memref<8x!tpu.dma_semaphore, #tpu.memory_space<semaphore_mem>> -> memref<1x!tpu.dma_semaphore, #tpu.memory_space<semaphore_mem>>
    %dma_start3A_28 = tpu.memref_squeeze %dma_start3A_27 : memref<1x!tpu.dma_semaphore, #tpu.memory_space<semaphore_mem>> -> memref<!tpu.dma_semaphore, #tpu.memory_space<semaphore_mem>>
    %dma_start3A_29 = arith.constant 0 : i32
    %dma_start3A_30 = arith.constant 0 : i32
    %dma_start3A_31 = arith.constant 0 : i32
    %dma_start3A_32 = tpu.memref_slice %arg2[%dma_start3A_25, %dma_start3A_29, %dma_start3A_30, %dma_start3A_31] : memref<8x125x16x512xf32, #tpu.memory_space<vmem>> -> memref<1x125x16x512xf32, #tpu.memory_space<vmem>>
    %dma_start3A_33 = tpu.memref_squeeze %dma_start3A_32 : memref<1x125x16x512xf32, #tpu.memory_space<vmem>> -> memref<125x16x512xf32, #tpu.memory_space<vmem>>
    %dma_start3A_34 = arith.constant 250 : i32
    %dma_start3A_35 = arith.constant 0 : i32
    %dma_start3A_36 = arith.constant 0 : i32
    %dma_start3A_37 = tpu.memref_slice %arg0[%dma_start3A_34, %dma_start3A_35, %dma_start3A_36] : memref<1000x16x512xf32, #tpu.memory_space<any>> -> memref<125x16x512xf32, #tpu.memory_space<any>>
    tpu.enqueue_dma source(%dma_start3A_37 : memref<125x16x512xf32, #tpu.memory_space<any>>) target(%dma_start3A_33 : memref<125x16x512xf32, #tpu.memory_space<vmem>>) target_semaphore(%dma_start3A_28 : memref<!tpu.dma_semaphore, #tpu.memory_space<semaphore_mem>>)
    %dma_start3A_38 = arith.constant 3 : i32
    %dma_start3A_39 = arith.constant 3 : i32
    %dma_start3A_40 = tpu.memref_slice %arg3[%dma_start3A_39] : memref<8x!tpu.dma_semaphore, #tpu.memory_space<semaphore_mem>> -> memref<1x!tpu.dma_semaphore, #tpu.memory_space<semaphore_mem>>
    %dma_start3A_41 = tpu.memref_squeeze %dma_start3A_40 : memref<1x!tpu.dma_semaphore, #tpu.memory_space<semaphore_mem>> -> memref<!tpu.dma_semaphore, #tpu.memory_space<semaphore_mem>>
    %dma_start3A_42 = arith.constant 0 : i32
    %dma_start3A_43 = arith.constant 0 : i32
    %dma_start3A_44 = arith.constant 0 : i32
    %dma_start3A_45 = tpu.memref_slice %arg2[%dma_start3A_38, %dma_start3A_42, %dma_start3A_43, %dma_start3A_44] : memref<8x125x16x512xf32, #tpu.memory_space<vmem>> -> memref<1x125x16x512xf32, #tpu.memory_space<vmem>>
    %dma_start3A_46 = tpu.memref_squeeze %dma_start3A_45 : memref<1x125x16x512xf32, #tpu.memory_space<vmem>> -> memref<125x16x512xf32, #tpu.memory_space<vmem>>
    %dma_start3A_47 = arith.constant 375 : i32
    %dma_start3A_48 = arith.constant 0 : i32
    %dma_start3A_49 = arith.constant 0 : i32
    %dma_start3A_50 = tpu.memref_slice %arg0[%dma_start3A_47, %dma_start3A_48, %dma_start3A_49] : memref<1000x16x512xf32, #tpu.memory_space<any>> -> memref<125x16x512xf32, #tpu.memory_space<any>>
    tpu.enqueue_dma source(%dma_start3A_50 : memref<125x16x512xf32, #tpu.memory_space<any>>) target(%dma_start3A_46 : memref<125x16x512xf32, #tpu.memory_space<vmem>>) target_semaphore(%dma_start3A_41 : memref<!tpu.dma_semaphore, #tpu.memory_space<semaphore_mem>>)
    %dma_start3A_51 = arith.constant 4 : i32
    %dma_start3A_52 = arith.constant 4 : i32
    %dma_start3A_53 = tpu.memref_slice %arg3[%dma_start3A_52] : memref<8x!tpu.dma_semaphore, #tpu.memory_space<semaphore_mem>> -> memref<1x!tpu.dma_semaphore, #tpu.memory_space<semaphore_mem>>
    %dma_start3A_54 = tpu.memref_squeeze %dma_start3A_53 : memref<1x!tpu.dma_semaphore, #tpu.memory_space<semaphore_mem>> -> memref<!tpu.dma_semaphore, #tpu.memory_space<semaphore_mem>>
    %dma_start3A_55 = arith.constant 0 : i32
    %dma_start3A_56 = arith.constant 0 : i32
    %dma_start3A_57 = arith.constant 0 : i32
    %dma_start3A_58 = tpu.memref_slice %arg2[%dma_start3A_51, %dma_start3A_55, %dma_start3A_56, %dma_start3A_57] : memref<8x125x16x512xf32, #tpu.memory_space<vmem>> -> memref<1x125x16x512xf32, #tpu.memory_space<vmem>>
    %dma_start3A_59 = tpu.memref_squeeze %dma_start3A_58 : memref<1x125x16x512xf32, #tpu.memory_space<vmem>> -> memref<125x16x512xf32, #tpu.memory_space<vmem>>
    %dma_start3A_60 = arith.constant 500 : i32
    %dma_start3A_61 = arith.constant 0 : i32
    %dma_start3A_62 = arith.constant 0 : i32
    %dma_start3A_63 = tpu.memref_slice %arg0[%dma_start3A_60, %dma_start3A_61, %dma_start3A_62] : memref<1000x16x512xf32, #tpu.memory_space<any>> -> memref<125x16x512xf32, #tpu.memory_space<any>>
    tpu.enqueue_dma source(%dma_start3A_63 : memref<125x16x512xf32, #tpu.memory_space<any>>) target(%dma_start3A_59 : memref<125x16x512xf32, #tpu.memory_space<vmem>>) target_semaphore(%dma_start3A_54 : memref<!tpu.dma_semaphore, #tpu.memory_space<semaphore_mem>>)
    %dma_start3A_64 = arith.constant 5 : i32
    %dma_start3A_65 = arith.constant 5 : i32
    %dma_start3A_66 = tpu.memref_slice %arg3[%dma_start3A_65] : memref<8x!tpu.dma_semaphore, #tpu.memory_space<semaphore_mem>> -> memref<1x!tpu.dma_semaphore, #tpu.memory_space<semaphore_mem>>
    %dma_start3A_67 = tpu.memref_squeeze %dma_start3A_66 : memref<1x!tpu.dma_semaphore, #tpu.memory_space<semaphore_mem>> -> memref<!tpu.dma_semaphore, #tpu.memory_space<semaphore_mem>>
    %dma_start3A_68 = arith.constant 0 : i32
    %dma_start3A_69 = arith.constant 0 : i32
    %dma_start3A_70 = arith.constant 0 : i32
    %dma_start3A_71 = tpu.memref_slice %arg2[%dma_start3A_64, %dma_start3A_68, %dma_start3A_69, %dma_start3A_70] : memref<8x125x16x512xf32, #tpu.memory_space<vmem>> -> memref<1x125x16x512xf32, #tpu.memory_space<vmem>>
    %dma_start3A_72 = tpu.memref_squeeze %dma_start3A_71 : memref<1x125x16x512xf32, #tpu.memory_space<vmem>> -> memref<125x16x512xf32, #tpu.memory_space<vmem>>
    %dma_start3A_73 = arith.constant 625 : i32
    %dma_start3A_74 = arith.constant 0 : i32
    %dma_start3A_75 = arith.constant 0 : i32
    %dma_start3A_76 = tpu.memref_slice %arg0[%dma_start3A_73, %dma_start3A_74, %dma_start3A_75] : memref<1000x16x512xf32, #tpu.memory_space<any>> -> memref<125x16x512xf32, #tpu.memory_space<any>>
    tpu.enqueue_dma source(%dma_start3A_76 : memref<125x16x512xf32, #tpu.memory_space<any>>) target(%dma_start3A_72 : memref<125x16x512xf32, #tpu.memory_space<vmem>>) target_semaphore(%dma_start3A_67 : memref<!tpu.dma_semaphore, #tpu.memory_space<semaphore_mem>>)
    %dma_start3A_77 = arith.constant 6 : i32
    %dma_start3A_78 = arith.constant 6 : i32
    %dma_start3A_79 = tpu.memref_slice %arg3[%dma_start3A_78] : memref<8x!tpu.dma_semaphore, #tpu.memory_space<semaphore_mem>> -> memref<1x!tpu.dma_semaphore, #tpu.memory_space<semaphore_mem>>
    %dma_start3A_80 = tpu.memref_squeeze %dma_start3A_79 : memref<1x!tpu.dma_semaphore, #tpu.memory_space<semaphore_mem>> -> memref<!tpu.dma_semaphore, #tpu.memory_space<semaphore_mem>>
    %dma_start3A_81 = arith.constant 0 : i32
    %dma_start3A_82 = arith.constant 0 : i32
    %dma_start3A_83 = arith.constant 0 : i32
    %dma_start3A_84 = tpu.memref_slice %arg2[%dma_start3A_77, %dma_start3A_81, %dma_start3A_82, %dma_start3A_83] : memref<8x125x16x512xf32, #tpu.memory_space<vmem>> -> memref<1x125x16x512xf32, #tpu.memory_space<vmem>>
    %dma_start3A_85 = tpu.memref_squeeze %dma_start3A_84 : memref<1x125x16x512xf32, #tpu.memory_space<vmem>> -> memref<125x16x512xf32, #tpu.memory_space<vmem>>
    %dma_start3A_86 = arith.constant 750 : i32
    %dma_start3A_87 = arith.constant 0 : i32
    %dma_start3A_88 = arith.constant 0 : i32
    %dma_start3A_89 = tpu.memref_slice %arg0[%dma_start3A_86, %dma_start3A_87, %dma_start3A_88] : memref<1000x16x512xf32, #tpu.memory_space<any>> -> memref<125x16x512xf32, #tpu.memory_space<any>>
    tpu.enqueue_dma source(%dma_start3A_89 : memref<125x16x512xf32, #tpu.memory_space<any>>) target(%dma_start3A_85 : memref<125x16x512xf32, #tpu.memory_space<vmem>>) target_semaphore(%dma_start3A_80 : memref<!tpu.dma_semaphore, #tpu.memory_space<semaphore_mem>>)
    %dma_start3A_90 = arith.constant 7 : i32
    %dma_start3A_91 = arith.constant 7 : i32
    %dma_start3A_92 = tpu.memref_slice %arg3[%dma_start3A_91] : memref<8x!tpu.dma_semaphore, #tpu.memory_space<semaphore_mem>> -> memref<1x!tpu.dma_semaphore, #tpu.memory_space<semaphore_mem>>
    %dma_start3A_93 = tpu.memref_squeeze %dma_start3A_92 : memref<1x!tpu.dma_semaphore, #tpu.memory_space<semaphore_mem>> -> memref<!tpu.dma_semaphore, #tpu.memory_space<semaphore_mem>>
    %dma_start3A_94 = arith.constant 0 : i32
    %dma_start3A_95 = arith.constant 0 : i32
    %dma_start3A_96 = arith.constant 0 : i32
    %dma_start3A_97 = tpu.memref_slice %arg2[%dma_start3A_90, %dma_start3A_94, %dma_start3A_95, %dma_start3A_96] : memref<8x125x16x512xf32, #tpu.memory_space<vmem>> -> memref<1x125x16x512xf32, #tpu.memory_space<vmem>>
    %dma_start3A_98 = tpu.memref_squeeze %dma_start3A_97 : memref<1x125x16x512xf32, #tpu.memory_space<vmem>> -> memref<125x16x512xf32, #tpu.memory_space<vmem>>
    %dma_start3A_99 = arith.constant 875 : i32
    %dma_start3A_100 = arith.constant 0 : i32
    %dma_start3A_101 = arith.constant 0 : i32
    %dma_start3A_102 = tpu.memref_slice %arg0[%dma_start3A_99, %dma_start3A_100, %dma_start3A_101] : memref<1000x16x512xf32, #tpu.memory_space<any>> -> memref<125x16x512xf32, #tpu.memory_space<any>>
    tpu.enqueue_dma source(%dma_start3A_102 : memref<125x16x512xf32, #tpu.memory_space<any>>) target(%dma_start3A_98 : memref<125x16x512xf32, #tpu.memory_space<vmem>>) target_semaphore(%dma_start3A_93 : memref<!tpu.dma_semaphore, #tpu.memory_space<semaphore_mem>>)
    %dma_wait3A = arith.constant 0 : i32
    %dma_wait3A_103 = arith.constant 0 : i32
    %dma_wait3A_104 = tpu.memref_slice %arg3[%dma_wait3A_103] : memref<8x!tpu.dma_semaphore, #tpu.memory_space<semaphore_mem>> -> memref<1x!tpu.dma_semaphore, #tpu.memory_space<semaphore_mem>>
    %dma_wait3A_105 = tpu.memref_squeeze %dma_wait3A_104 : memref<1x!tpu.dma_semaphore, #tpu.memory_space<semaphore_mem>> -> memref<!tpu.dma_semaphore, #tpu.memory_space<semaphore_mem>>
    %dma_wait3A_106 = arith.constant 0 : i32
    %dma_wait3A_107 = arith.constant 0 : i32
    %dma_wait3A_108 = arith.constant 0 : i32
    %dma_wait3A_109 = tpu.memref_slice %arg2[%dma_wait3A, %dma_wait3A_106, %dma_wait3A_107, %dma_wait3A_108] : memref<8x125x16x512xf32, #tpu.memory_space<vmem>> -> memref<1x125x16x512xf32, #tpu.memory_space<vmem>>
    %dma_wait3A_110 = tpu.memref_squeeze %dma_wait3A_109 : memref<1x125x16x512xf32, #tpu.memory_space<vmem>> -> memref<125x16x512xf32, #tpu.memory_space<vmem>>
    %dma_wait3A_111 = arith.constant 0 : i32
    %dma_wait3A_112 = arith.constant 0 : i32
    %dma_wait3A_113 = arith.constant 0 : i32
    %dma_wait3A_114 = tpu.memref_slice %arg0[%dma_wait3A_111, %dma_wait3A_112, %dma_wait3A_113] : memref<1000x16x512xf32, #tpu.memory_space<any>> -> memref<125x16x512xf32, #tpu.memory_space<any>>
    tpu.wait_dma2 semaphore(%dma_wait3A_105 : memref<!tpu.dma_semaphore, #tpu.memory_space<semaphore_mem>>) src(%dma_wait3A_114 : memref<125x16x512xf32, #tpu.memory_space<any>>) dst(%dma_wait3A_110 : memref<125x16x512xf32, #tpu.memory_space<vmem>>)
    %dma_start3A_115 = arith.constant 0 : i32
    %dma_start3A_116 = arith.constant 0 : i32
    %dma_start3A_117 = tpu.memref_slice %arg4[%dma_start3A_116] : memref<8x!tpu.dma_semaphore, #tpu.memory_space<semaphore_mem>> -> memref<1x!tpu.dma_semaphore, #tpu.memory_space<semaphore_mem>>
    %dma_start3A_118 = tpu.memref_squeeze %dma_start3A_117 : memref<1x!tpu.dma_semaphore, #tpu.memory_space<semaphore_mem>> -> memref<!tpu.dma_semaphore, #tpu.memory_space<semaphore_mem>>
    %dma_start3A_119 = arith.constant 0 : i32
    %dma_start3A_120 = arith.constant 0 : i32
    %dma_start3A_121 = arith.constant 0 : i32
    %dma_start3A_122 = tpu.memref_slice %arg1[%dma_start3A_119, %dma_start3A_120, %dma_start3A_121] : memref<1000x16x512xf32, #tpu.memory_space<any>> -> memref<125x16x512xf32, #tpu.memory_space<any>>
    %dma_start3A_123 = arith.constant 0 : i32
    %dma_start3A_124 = arith.constant 0 : i32
    %dma_start3A_125 = arith.constant 0 : i32
    %dma_start3A_126 = tpu.memref_slice %arg2[%dma_start3A_115, %dma_start3A_123, %dma_start3A_124, %dma_start3A_125] : memref<8x125x16x512xf32, #tpu.memory_space<vmem>> -> memref<1x125x16x512xf32, #tpu.memory_space<vmem>>
    %dma_start3A_127 = tpu.memref_squeeze %dma_start3A_126 : memref<1x125x16x512xf32, #tpu.memory_space<vmem>> -> memref<125x16x512xf32, #tpu.memory_space<vmem>>
    tpu.enqueue_dma source(%dma_start3A_127 : memref<125x16x512xf32, #tpu.memory_space<vmem>>) target(%dma_start3A_122 : memref<125x16x512xf32, #tpu.memory_space<any>>) target_semaphore(%dma_start3A_118 : memref<!tpu.dma_semaphore, #tpu.memory_space<semaphore_mem>>)
    %dma_wait3A_128 = arith.constant 1 : i32
    %dma_wait3A_129 = arith.constant 1 : i32
    %dma_wait3A_130 = tpu.memref_slice %arg3[%dma_wait3A_129] : memref<8x!tpu.dma_semaphore, #tpu.memory_space<semaphore_mem>> -> memref<1x!tpu.dma_semaphore, #tpu.memory_space<semaphore_mem>>
    %dma_wait3A_131 = tpu.memref_squeeze %dma_wait3A_130 : memref<1x!tpu.dma_semaphore, #tpu.memory_space<semaphore_mem>> -> memref<!tpu.dma_semaphore, #tpu.memory_space<semaphore_mem>>
    %dma_wait3A_132 = arith.constant 0 : i32
    %dma_wait3A_133 = arith.constant 0 : i32
    %dma_wait3A_134 = arith.constant 0 : i32
    %dma_wait3A_135 = tpu.memref_slice %arg2[%dma_wait3A_128, %dma_wait3A_132, %dma_wait3A_133, %dma_wait3A_134] : memref<8x125x16x512xf32, #tpu.memory_space<vmem>> -> memref<1x125x16x512xf32, #tpu.memory_space<vmem>>
    %dma_wait3A_136 = tpu.memref_squeeze %dma_wait3A_135 : memref<1x125x16x512xf32, #tpu.memory_space<vmem>> -> memref<125x16x512xf32, #tpu.memory_space<vmem>>
    %dma_wait3A_137 = arith.constant 125 : i32
    %dma_wait3A_138 = arith.constant 0 : i32
    %dma_wait3A_139 = arith.constant 0 : i32
    %dma_wait3A_140 = tpu.memref_slice %arg0[%dma_wait3A_137, %dma_wait3A_138, %dma_wait3A_139] : memref<1000x16x512xf32, #tpu.memory_space<any>> -> memref<125x16x512xf32, #tpu.memory_space<any>>
    tpu.wait_dma2 semaphore(%dma_wait3A_131 : memref<!tpu.dma_semaphore, #tpu.memory_space<semaphore_mem>>) src(%dma_wait3A_140 : memref<125x16x512xf32, #tpu.memory_space<any>>) dst(%dma_wait3A_136 : memref<125x16x512xf32, #tpu.memory_space<vmem>>)
    %dma_start3A_141 = arith.constant 1 : i32
    %dma_start3A_142 = arith.constant 1 : i32
    %dma_start3A_143 = tpu.memref_slice %arg4[%dma_start3A_142] : memref<8x!tpu.dma_semaphore, #tpu.memory_space<semaphore_mem>> -> memref<1x!tpu.dma_semaphore, #tpu.memory_space<semaphore_mem>>
    %dma_start3A_144 = tpu.memref_squeeze %dma_start3A_143 : memref<1x!tpu.dma_semaphore, #tpu.memory_space<semaphore_mem>> -> memref<!tpu.dma_semaphore, #tpu.memory_space<semaphore_mem>>
    %dma_start3A_145 = arith.constant 125 : i32
    %dma_start3A_146 = arith.constant 0 : i32
    %dma_start3A_147 = arith.constant 0 : i32
    %dma_start3A_148 = tpu.memref_slice %arg1[%dma_start3A_145, %dma_start3A_146, %dma_start3A_147] : memref<1000x16x512xf32, #tpu.memory_space<any>> -> memref<125x16x512xf32, #tpu.memory_space<any>>
    %dma_start3A_149 = arith.constant 0 : i32
    %dma_start3A_150 = arith.constant 0 : i32
    %dma_start3A_151 = arith.constant 0 : i32
    %dma_start3A_152 = tpu.memref_slice %arg2[%dma_start3A_141, %dma_start3A_149, %dma_start3A_150, %dma_start3A_151] : memref<8x125x16x512xf32, #tpu.memory_space<vmem>> -> memref<1x125x16x512xf32, #tpu.memory_space<vmem>>
    %dma_start3A_153 = tpu.memref_squeeze %dma_start3A_152 : memref<1x125x16x512xf32, #tpu.memory_space<vmem>> -> memref<125x16x512xf32, #tpu.memory_space<vmem>>
    tpu.enqueue_dma source(%dma_start3A_153 : memref<125x16x512xf32, #tpu.memory_space<vmem>>) target(%dma_start3A_148 : memref<125x16x512xf32, #tpu.memory_space<any>>) target_semaphore(%dma_start3A_144 : memref<!tpu.dma_semaphore, #tpu.memory_space<semaphore_mem>>)
    %dma_wait3A_154 = arith.constant 2 : i32
    %dma_wait3A_155 = arith.constant 2 : i32
    %dma_wait3A_156 = tpu.memref_slice %arg3[%dma_wait3A_155] : memref<8x!tpu.dma_semaphore, #tpu.memory_space<semaphore_mem>> -> memref<1x!tpu.dma_semaphore, #tpu.memory_space<semaphore_mem>>
    %dma_wait3A_157 = tpu.memref_squeeze %dma_wait3A_156 : memref<1x!tpu.dma_semaphore, #tpu.memory_space<semaphore_mem>> -> memref<!tpu.dma_semaphore, #tpu.memory_space<semaphore_mem>>
    %dma_wait3A_158 = arith.constant 0 : i32
    %dma_wait3A_159 = arith.constant 0 : i32
    %dma_wait3A_160 = arith.constant 0 : i32
    %dma_wait3A_161 = tpu.memref_slice %arg2[%dma_wait3A_154, %dma_wait3A_158, %dma_wait3A_159, %dma_wait3A_160] : memref<8x125x16x512xf32, #tpu.memory_space<vmem>> -> memref<1x125x16x512xf32, #tpu.memory_space<vmem>>
    %dma_wait3A_162 = tpu.memref_squeeze %dma_wait3A_161 : memref<1x125x16x512xf32, #tpu.memory_space<vmem>> -> memref<125x16x512xf32, #tpu.memory_space<vmem>>
    %dma_wait3A_163 = arith.constant 250 : i32
    %dma_wait3A_164 = arith.constant 0 : i32
    %dma_wait3A_165 = arith.constant 0 : i32
    %dma_wait3A_166 = tpu.memref_slice %arg0[%dma_wait3A_163, %dma_wait3A_164, %dma_wait3A_165] : memref<1000x16x512xf32, #tpu.memory_space<any>> -> memref<125x16x512xf32, #tpu.memory_space<any>>
    tpu.wait_dma2 semaphore(%dma_wait3A_157 : memref<!tpu.dma_semaphore, #tpu.memory_space<semaphore_mem>>) src(%dma_wait3A_166 : memref<125x16x512xf32, #tpu.memory_space<any>>) dst(%dma_wait3A_162 : memref<125x16x512xf32, #tpu.memory_space<vmem>>)
    %dma_start3A_167 = arith.constant 2 : i32
    %dma_start3A_168 = arith.constant 2 : i32
    %dma_start3A_169 = tpu.memref_slice %arg4[%dma_start3A_168] : memref<8x!tpu.dma_semaphore, #tpu.memory_space<semaphore_mem>> -> memref<1x!tpu.dma_semaphore, #tpu.memory_space<semaphore_mem>>
    %dma_start3A_170 = tpu.memref_squeeze %dma_start3A_169 : memref<1x!tpu.dma_semaphore, #tpu.memory_space<semaphore_mem>> -> memref<!tpu.dma_semaphore, #tpu.memory_space<semaphore_mem>>
    %dma_start3A_171 = arith.constant 250 : i32
    %dma_start3A_172 = arith.constant 0 : i32
    %dma_start3A_173 = arith.constant 0 : i32
    %dma_start3A_174 = tpu.memref_slice %arg1[%dma_start3A_171, %dma_start3A_172, %dma_start3A_173] : memref<1000x16x512xf32, #tpu.memory_space<any>> -> memref<125x16x512xf32, #tpu.memory_space<any>>
    %dma_start3A_175 = arith.constant 0 : i32
    %dma_start3A_176 = arith.constant 0 : i32
    %dma_start3A_177 = arith.constant 0 : i32
    %dma_start3A_178 = tpu.memref_slice %arg2[%dma_start3A_167, %dma_start3A_175, %dma_start3A_176, %dma_start3A_177] : memref<8x125x16x512xf32, #tpu.memory_space<vmem>> -> memref<1x125x16x512xf32, #tpu.memory_space<vmem>>
    %dma_start3A_179 = tpu.memref_squeeze %dma_start3A_178 : memref<1x125x16x512xf32, #tpu.memory_space<vmem>> -> memref<125x16x512xf32, #tpu.memory_space<vmem>>
    tpu.enqueue_dma source(%dma_start3A_179 : memref<125x16x512xf32, #tpu.memory_space<vmem>>) target(%dma_start3A_174 : memref<125x16x512xf32, #tpu.memory_space<any>>) target_semaphore(%dma_start3A_170 : memref<!tpu.dma_semaphore, #tpu.memory_space<semaphore_mem>>)
    %dma_wait3A_180 = arith.constant 3 : i32
    %dma_wait3A_181 = arith.constant 3 : i32
    %dma_wait3A_182 = tpu.memref_slice %arg3[%dma_wait3A_181] : memref<8x!tpu.dma_semaphore, #tpu.memory_space<semaphore_mem>> -> memref<1x!tpu.dma_semaphore, #tpu.memory_space<semaphore_mem>>
    %dma_wait3A_183 = tpu.memref_squeeze %dma_wait3A_182 : memref<1x!tpu.dma_semaphore, #tpu.memory_space<semaphore_mem>> -> memref<!tpu.dma_semaphore, #tpu.memory_space<semaphore_mem>>
    %dma_wait3A_184 = arith.constant 0 : i32
    %dma_wait3A_185 = arith.constant 0 : i32
    %dma_wait3A_186 = arith.constant 0 : i32
    %dma_wait3A_187 = tpu.memref_slice %arg2[%dma_wait3A_180, %dma_wait3A_184, %dma_wait3A_185, %dma_wait3A_186] : memref<8x125x16x512xf32, #tpu.memory_space<vmem>> -> memref<1x125x16x512xf32, #tpu.memory_space<vmem>>
    %dma_wait3A_188 = tpu.memref_squeeze %dma_wait3A_187 : memref<1x125x16x512xf32, #tpu.memory_space<vmem>> -> memref<125x16x512xf32, #tpu.memory_space<vmem>>
    %dma_wait3A_189 = arith.constant 375 : i32
    %dma_wait3A_190 = arith.constant 0 : i32
    %dma_wait3A_191 = arith.constant 0 : i32
    %dma_wait3A_192 = tpu.memref_slice %arg0[%dma_wait3A_189, %dma_wait3A_190, %dma_wait3A_191] : memref<1000x16x512xf32, #tpu.memory_space<any>> -> memref<125x16x512xf32, #tpu.memory_space<any>>
    tpu.wait_dma2 semaphore(%dma_wait3A_183 : memref<!tpu.dma_semaphore, #tpu.memory_space<semaphore_mem>>) src(%dma_wait3A_192 : memref<125x16x512xf32, #tpu.memory_space<any>>) dst(%dma_wait3A_188 : memref<125x16x512xf32, #tpu.memory_space<vmem>>)
    %dma_start3A_193 = arith.constant 3 : i32
    %dma_start3A_194 = arith.constant 3 : i32
    %dma_start3A_195 = tpu.memref_slice %arg4[%dma_start3A_194] : memref<8x!tpu.dma_semaphore, #tpu.memory_space<semaphore_mem>> -> memref<1x!tpu.dma_semaphore, #tpu.memory_space<semaphore_mem>>
    %dma_start3A_196 = tpu.memref_squeeze %dma_start3A_195 : memref<1x!tpu.dma_semaphore, #tpu.memory_space<semaphore_mem>> -> memref<!tpu.dma_semaphore, #tpu.memory_space<semaphore_mem>>
    %dma_start3A_197 = arith.constant 375 : i32
    %dma_start3A_198 = arith.constant 0 : i32
    %dma_start3A_199 = arith.constant 0 : i32
    %dma_start3A_200 = tpu.memref_slice %arg1[%dma_start3A_197, %dma_start3A_198, %dma_start3A_199] : memref<1000x16x512xf32, #tpu.memory_space<any>> -> memref<125x16x512xf32, #tpu.memory_space<any>>
    %dma_start3A_201 = arith.constant 0 : i32
    %dma_start3A_202 = arith.constant 0 : i32
    %dma_start3A_203 = arith.constant 0 : i32
    %dma_start3A_204 = tpu.memref_slice %arg2[%dma_start3A_193, %dma_start3A_201, %dma_start3A_202, %dma_start3A_203] : memref<8x125x16x512xf32, #tpu.memory_space<vmem>> -> memref<1x125x16x512xf32, #tpu.memory_space<vmem>>
    %dma_start3A_205 = tpu.memref_squeeze %dma_start3A_204 : memref<1x125x16x512xf32, #tpu.memory_space<vmem>> -> memref<125x16x512xf32, #tpu.memory_space<vmem>>
    tpu.enqueue_dma source(%dma_start3A_205 : memref<125x16x512xf32, #tpu.memory_space<vmem>>) target(%dma_start3A_200 : memref<125x16x512xf32, #tpu.memory_space<any>>) target_semaphore(%dma_start3A_196 : memref<!tpu.dma_semaphore, #tpu.memory_space<semaphore_mem>>)
    %dma_wait3A_206 = arith.constant 4 : i32
    %dma_wait3A_207 = arith.constant 4 : i32
    %dma_wait3A_208 = tpu.memref_slice %arg3[%dma_wait3A_207] : memref<8x!tpu.dma_semaphore, #tpu.memory_space<semaphore_mem>> -> memref<1x!tpu.dma_semaphore, #tpu.memory_space<semaphore_mem>>
    %dma_wait3A_209 = tpu.memref_squeeze %dma_wait3A_208 : memref<1x!tpu.dma_semaphore, #tpu.memory_space<semaphore_mem>> -> memref<!tpu.dma_semaphore, #tpu.memory_space<semaphore_mem>>
    %dma_wait3A_210 = arith.constant 0 : i32
    %dma_wait3A_211 = arith.constant 0 : i32
    %dma_wait3A_212 = arith.constant 0 : i32
    %dma_wait3A_213 = tpu.memref_slice %arg2[%dma_wait3A_206, %dma_wait3A_210, %dma_wait3A_211, %dma_wait3A_212] : memref<8x125x16x512xf32, #tpu.memory_space<vmem>> -> memref<1x125x16x512xf32, #tpu.memory_space<vmem>>
    %dma_wait3A_214 = tpu.memref_squeeze %dma_wait3A_213 : memref<1x125x16x512xf32, #tpu.memory_space<vmem>> -> memref<125x16x512xf32, #tpu.memory_space<vmem>>
    %dma_wait3A_215 = arith.constant 500 : i32
    %dma_wait3A_216 = arith.constant 0 : i32
    %dma_wait3A_217 = arith.constant 0 : i32
    %dma_wait3A_218 = tpu.memref_slice %arg0[%dma_wait3A_215, %dma_wait3A_216, %dma_wait3A_217] : memref<1000x16x512xf32, #tpu.memory_space<any>> -> memref<125x16x512xf32, #tpu.memory_space<any>>
    tpu.wait_dma2 semaphore(%dma_wait3A_209 : memref<!tpu.dma_semaphore, #tpu.memory_space<semaphore_mem>>) src(%dma_wait3A_218 : memref<125x16x512xf32, #tpu.memory_space<any>>) dst(%dma_wait3A_214 : memref<125x16x512xf32, #tpu.memory_space<vmem>>)
    %dma_start3A_219 = arith.constant 4 : i32
    %dma_start3A_220 = arith.constant 4 : i32
    %dma_start3A_221 = tpu.memref_slice %arg4[%dma_start3A_220] : memref<8x!tpu.dma_semaphore, #tpu.memory_space<semaphore_mem>> -> memref<1x!tpu.dma_semaphore, #tpu.memory_space<semaphore_mem>>
    %dma_start3A_222 = tpu.memref_squeeze %dma_start3A_221 : memref<1x!tpu.dma_semaphore, #tpu.memory_space<semaphore_mem>> -> memref<!tpu.dma_semaphore, #tpu.memory_space<semaphore_mem>>
    %dma_start3A_223 = arith.constant 500 : i32
    %dma_start3A_224 = arith.constant 0 : i32
    %dma_start3A_225 = arith.constant 0 : i32
    %dma_start3A_226 = tpu.memref_slice %arg1[%dma_start3A_223, %dma_start3A_224, %dma_start3A_225] : memref<1000x16x512xf32, #tpu.memory_space<any>> -> memref<125x16x512xf32, #tpu.memory_space<any>>
    %dma_start3A_227 = arith.constant 0 : i32
    %dma_start3A_228 = arith.constant 0 : i32
    %dma_start3A_229 = arith.constant 0 : i32
    %dma_start3A_230 = tpu.memref_slice %arg2[%dma_start3A_219, %dma_start3A_227, %dma_start3A_228, %dma_start3A_229] : memref<8x125x16x512xf32, #tpu.memory_space<vmem>> -> memref<1x125x16x512xf32, #tpu.memory_space<vmem>>
    %dma_start3A_231 = tpu.memref_squeeze %dma_start3A_230 : memref<1x125x16x512xf32, #tpu.memory_space<vmem>> -> memref<125x16x512xf32, #tpu.memory_space<vmem>>
    tpu.enqueue_dma source(%dma_start3A_231 : memref<125x16x512xf32, #tpu.memory_space<vmem>>) target(%dma_start3A_226 : memref<125x16x512xf32, #tpu.memory_space<any>>) target_semaphore(%dma_start3A_222 : memref<!tpu.dma_semaphore, #tpu.memory_space<semaphore_mem>>)
    %dma_wait3A_232 = arith.constant 5 : i32
    %dma_wait3A_233 = arith.constant 5 : i32
    %dma_wait3A_234 = tpu.memref_slice %arg3[%dma_wait3A_233] : memref<8x!tpu.dma_semaphore, #tpu.memory_space<semaphore_mem>> -> memref<1x!tpu.dma_semaphore, #tpu.memory_space<semaphore_mem>>
    %dma_wait3A_235 = tpu.memref_squeeze %dma_wait3A_234 : memref<1x!tpu.dma_semaphore, #tpu.memory_space<semaphore_mem>> -> memref<!tpu.dma_semaphore, #tpu.memory_space<semaphore_mem>>
    %dma_wait3A_236 = arith.constant 0 : i32
    %dma_wait3A_237 = arith.constant 0 : i32
    %dma_wait3A_238 = arith.constant 0 : i32
    %dma_wait3A_239 = tpu.memref_slice %arg2[%dma_wait3A_232, %dma_wait3A_236, %dma_wait3A_237, %dma_wait3A_238] : memref<8x125x16x512xf32, #tpu.memory_space<vmem>> -> memref<1x125x16x512xf32, #tpu.memory_space<vmem>>
    %dma_wait3A_240 = tpu.memref_squeeze %dma_wait3A_239 : memref<1x125x16x512xf32, #tpu.memory_space<vmem>> -> memref<125x16x512xf32, #tpu.memory_space<vmem>>
    %dma_wait3A_241 = arith.constant 625 : i32
    %dma_wait3A_242 = arith.constant 0 : i32
    %dma_wait3A_243 = arith.constant 0 : i32
    %dma_wait3A_244 = tpu.memref_slice %arg0[%dma_wait3A_241, %dma_wait3A_242, %dma_wait3A_243] : memref<1000x16x512xf32, #tpu.memory_space<any>> -> memref<125x16x512xf32, #tpu.memory_space<any>>
    tpu.wait_dma2 semaphore(%dma_wait3A_235 : memref<!tpu.dma_semaphore, #tpu.memory_space<semaphore_mem>>) src(%dma_wait3A_244 : memref<125x16x512xf32, #tpu.memory_space<any>>) dst(%dma_wait3A_240 : memref<125x16x512xf32, #tpu.memory_space<vmem>>)
    %dma_start3A_245 = arith.constant 5 : i32
    %dma_start3A_246 = arith.constant 5 : i32
    %dma_start3A_247 = tpu.memref_slice %arg4[%dma_start3A_246] : memref<8x!tpu.dma_semaphore, #tpu.memory_space<semaphore_mem>> -> memref<1x!tpu.dma_semaphore, #tpu.memory_space<semaphore_mem>>
    %dma_start3A_248 = tpu.memref_squeeze %dma_start3A_247 : memref<1x!tpu.dma_semaphore, #tpu.memory_space<semaphore_mem>> -> memref<!tpu.dma_semaphore, #tpu.memory_space<semaphore_mem>>
    %dma_start3A_249 = arith.constant 625 : i32
    %dma_start3A_250 = arith.constant 0 : i32
    %dma_start3A_251 = arith.constant 0 : i32
    %dma_start3A_252 = tpu.memref_slice %arg1[%dma_start3A_249, %dma_start3A_250, %dma_start3A_251] : memref<1000x16x512xf32, #tpu.memory_space<any>> -> memref<125x16x512xf32, #tpu.memory_space<any>>
    %dma_start3A_253 = arith.constant 0 : i32
    %dma_start3A_254 = arith.constant 0 : i32
    %dma_start3A_255 = arith.constant 0 : i32
    %dma_start3A_256 = tpu.memref_slice %arg2[%dma_start3A_245, %dma_start3A_253, %dma_start3A_254, %dma_start3A_255] : memref<8x125x16x512xf32, #tpu.memory_space<vmem>> -> memref<1x125x16x512xf32, #tpu.memory_space<vmem>>
    %dma_start3A_257 = tpu.memref_squeeze %dma_start3A_256 : memref<1x125x16x512xf32, #tpu.memory_space<vmem>> -> memref<125x16x512xf32, #tpu.memory_space<vmem>>
    tpu.enqueue_dma source(%dma_start3A_257 : memref<125x16x512xf32, #tpu.memory_space<vmem>>) target(%dma_start3A_252 : memref<125x16x512xf32, #tpu.memory_space<any>>) target_semaphore(%dma_start3A_248 : memref<!tpu.dma_semaphore, #tpu.memory_space<semaphore_mem>>)
    %dma_wait3A_258 = arith.constant 6 : i32
    %dma_wait3A_259 = arith.constant 6 : i32
    %dma_wait3A_260 = tpu.memref_slice %arg3[%dma_wait3A_259] : memref<8x!tpu.dma_semaphore, #tpu.memory_space<semaphore_mem>> -> memref<1x!tpu.dma_semaphore, #tpu.memory_space<semaphore_mem>>
    %dma_wait3A_261 = tpu.memref_squeeze %dma_wait3A_260 : memref<1x!tpu.dma_semaphore, #tpu.memory_space<semaphore_mem>> -> memref<!tpu.dma_semaphore, #tpu.memory_space<semaphore_mem>>
    %dma_wait3A_262 = arith.constant 0 : i32
    %dma_wait3A_263 = arith.constant 0 : i32
    %dma_wait3A_264 = arith.constant 0 : i32
    %dma_wait3A_265 = tpu.memref_slice %arg2[%dma_wait3A_258, %dma_wait3A_262, %dma_wait3A_263, %dma_wait3A_264] : memref<8x125x16x512xf32, #tpu.memory_space<vmem>> -> memref<1x125x16x512xf32, #tpu.memory_space<vmem>>
    %dma_wait3A_266 = tpu.memref_squeeze %dma_wait3A_265 : memref<1x125x16x512xf32, #tpu.memory_space<vmem>> -> memref<125x16x512xf32, #tpu.memory_space<vmem>>
    %dma_wait3A_267 = arith.constant 750 : i32
    %dma_wait3A_268 = arith.constant 0 : i32
    %dma_wait3A_269 = arith.constant 0 : i32
    %dma_wait3A_270 = tpu.memref_slice %arg0[%dma_wait3A_267, %dma_wait3A_268, %dma_wait3A_269] : memref<1000x16x512xf32, #tpu.memory_space<any>> -> memref<125x16x512xf32, #tpu.memory_space<any>>
    tpu.wait_dma2 semaphore(%dma_wait3A_261 : memref<!tpu.dma_semaphore, #tpu.memory_space<semaphore_mem>>) src(%dma_wait3A_270 : memref<125x16x512xf32, #tpu.memory_space<any>>) dst(%dma_wait3A_266 : memref<125x16x512xf32, #tpu.memory_space<vmem>>)
    %dma_start3A_271 = arith.constant 6 : i32
    %dma_start3A_272 = arith.constant 6 : i32
    %dma_start3A_273 = tpu.memref_slice %arg4[%dma_start3A_272] : memref<8x!tpu.dma_semaphore, #tpu.memory_space<semaphore_mem>> -> memref<1x!tpu.dma_semaphore, #tpu.memory_space<semaphore_mem>>
    %dma_start3A_274 = tpu.memref_squeeze %dma_start3A_273 : memref<1x!tpu.dma_semaphore, #tpu.memory_space<semaphore_mem>> -> memref<!tpu.dma_semaphore, #tpu.memory_space<semaphore_mem>>
    %dma_start3A_275 = arith.constant 750 : i32
    %dma_start3A_276 = arith.constant 0 : i32
    %dma_start3A_277 = arith.constant 0 : i32
    %dma_start3A_278 = tpu.memref_slice %arg1[%dma_start3A_275, %dma_start3A_276, %dma_start3A_277] : memref<1000x16x512xf32, #tpu.memory_space<any>> -> memref<125x16x512xf32, #tpu.memory_space<any>>
    %dma_start3A_279 = arith.constant 0 : i32
    %dma_start3A_280 = arith.constant 0 : i32
    %dma_start3A_281 = arith.constant 0 : i32
    %dma_start3A_282 = tpu.memref_slice %arg2[%dma_start3A_271, %dma_start3A_279, %dma_start3A_280, %dma_start3A_281] : memref<8x125x16x512xf32, #tpu.memory_space<vmem>> -> memref<1x125x16x512xf32, #tpu.memory_space<vmem>>
    %dma_start3A_283 = tpu.memref_squeeze %dma_start3A_282 : memref<1x125x16x512xf32, #tpu.memory_space<vmem>> -> memref<125x16x512xf32, #tpu.memory_space<vmem>>
    tpu.enqueue_dma source(%dma_start3A_283 : memref<125x16x512xf32, #tpu.memory_space<vmem>>) target(%dma_start3A_278 : memref<125x16x512xf32, #tpu.memory_space<any>>) target_semaphore(%dma_start3A_274 : memref<!tpu.dma_semaphore, #tpu.memory_space<semaphore_mem>>)
    %dma_wait3A_284 = arith.constant 7 : i32
    %dma_wait3A_285 = arith.constant 7 : i32
    %dma_wait3A_286 = tpu.memref_slice %arg3[%dma_wait3A_285] : memref<8x!tpu.dma_semaphore, #tpu.memory_space<semaphore_mem>> -> memref<1x!tpu.dma_semaphore, #tpu.memory_space<semaphore_mem>>
    %dma_wait3A_287 = tpu.memref_squeeze %dma_wait3A_286 : memref<1x!tpu.dma_semaphore, #tpu.memory_space<semaphore_mem>> -> memref<!tpu.dma_semaphore, #tpu.memory_space<semaphore_mem>>
    %dma_wait3A_288 = arith.constant 0 : i32
    %dma_wait3A_289 = arith.constant 0 : i32
    %dma_wait3A_290 = arith.constant 0 : i32
    %dma_wait3A_291 = tpu.memref_slice %arg2[%dma_wait3A_284, %dma_wait3A_288, %dma_wait3A_289, %dma_wait3A_290] : memref<8x125x16x512xf32, #tpu.memory_space<vmem>> -> memref<1x125x16x512xf32, #tpu.memory_space<vmem>>
    %dma_wait3A_292 = tpu.memref_squeeze %dma_wait3A_291 : memref<1x125x16x512xf32, #tpu.memory_space<vmem>> -> memref<125x16x512xf32, #tpu.memory_space<vmem>>
    %dma_wait3A_293 = arith.constant 875 : i32
    %dma_wait3A_294 = arith.constant 0 : i32
    %dma_wait3A_295 = arith.constant 0 : i32
    %dma_wait3A_296 = tpu.memref_slice %arg0[%dma_wait3A_293, %dma_wait3A_294, %dma_wait3A_295] : memref<1000x16x512xf32, #tpu.memory_space<any>> -> memref<125x16x512xf32, #tpu.memory_space<any>>
    tpu.wait_dma2 semaphore(%dma_wait3A_287 : memref<!tpu.dma_semaphore, #tpu.memory_space<semaphore_mem>>) src(%dma_wait3A_296 : memref<125x16x512xf32, #tpu.memory_space<any>>) dst(%dma_wait3A_292 : memref<125x16x512xf32, #tpu.memory_space<vmem>>)
    %dma_start3A_297 = arith.constant 7 : i32
    %dma_start3A_298 = arith.constant 7 : i32
    %dma_start3A_299 = tpu.memref_slice %arg4[%dma_start3A_298] : memref<8x!tpu.dma_semaphore, #tpu.memory_space<semaphore_mem>> -> memref<1x!tpu.dma_semaphore, #tpu.memory_space<semaphore_mem>>
    %dma_start3A_300 = tpu.memref_squeeze %dma_start3A_299 : memref<1x!tpu.dma_semaphore, #tpu.memory_space<semaphore_mem>> -> memref<!tpu.dma_semaphore, #tpu.memory_space<semaphore_mem>>
    %dma_start3A_301 = arith.constant 875 : i32
    %dma_start3A_302 = arith.constant 0 : i32
    %dma_start3A_303 = arith.constant 0 : i32
    %dma_start3A_304 = tpu.memref_slice %arg1[%dma_start3A_301, %dma_start3A_302, %dma_start3A_303] : memref<1000x16x512xf32, #tpu.memory_space<any>> -> memref<125x16x512xf32, #tpu.memory_space<any>>
    %dma_start3A_305 = arith.constant 0 : i32
    %dma_start3A_306 = arith.constant 0 : i32
    %dma_start3A_307 = arith.constant 0 : i32
    %dma_start3A_308 = tpu.memref_slice %arg2[%dma_start3A_297, %dma_start3A_305, %dma_start3A_306, %dma_start3A_307] : memref<8x125x16x512xf32, #tpu.memory_space<vmem>> -> memref<1x125x16x512xf32, #tpu.memory_space<vmem>>
    %dma_start3A_309 = tpu.memref_squeeze %dma_start3A_308 : memref<1x125x16x512xf32, #tpu.memory_space<vmem>> -> memref<125x16x512xf32, #tpu.memory_space<vmem>>
    tpu.enqueue_dma source(%dma_start3A_309 : memref<125x16x512xf32, #tpu.memory_space<vmem>>) target(%dma_start3A_304 : memref<125x16x512xf32, #tpu.memory_space<any>>) target_semaphore(%dma_start3A_300 : memref<!tpu.dma_semaphore, #tpu.memory_space<semaphore_mem>>)
    %dma_wait3A_310 = arith.constant 0 : i32
    %dma_wait3A_311 = arith.constant 0 : i32
    %dma_wait3A_312 = tpu.memref_slice %arg4[%dma_wait3A_311] : memref<8x!tpu.dma_semaphore, #tpu.memory_space<semaphore_mem>> -> memref<1x!tpu.dma_semaphore, #tpu.memory_space<semaphore_mem>>
    %dma_wait3A_313 = tpu.memref_squeeze %dma_wait3A_312 : memref<1x!tpu.dma_semaphore, #tpu.memory_space<semaphore_mem>> -> memref<!tpu.dma_semaphore, #tpu.memory_space<semaphore_mem>>
    %dma_wait3A_314 = arith.constant 0 : i32
    %dma_wait3A_315 = arith.constant 0 : i32
    %dma_wait3A_316 = arith.constant 0 : i32
    %dma_wait3A_317 = tpu.memref_slice %arg1[%dma_wait3A_314, %dma_wait3A_315, %dma_wait3A_316] : memref<1000x16x512xf32, #tpu.memory_space<any>> -> memref<125x16x512xf32, #tpu.memory_space<any>>
    %dma_wait3A_318 = arith.constant 0 : i32
    %dma_wait3A_319 = arith.constant 0 : i32
    %dma_wait3A_320 = arith.constant 0 : i32
    %dma_wait3A_321 = tpu.memref_slice %arg2[%dma_wait3A_310, %dma_wait3A_318, %dma_wait3A_319, %dma_wait3A_320] : memref<8x125x16x512xf32, #tpu.memory_space<vmem>> -> memref<1x125x16x512xf32, #tpu.memory_space<vmem>>
    %dma_wait3A_322 = tpu.memref_squeeze %dma_wait3A_321 : memref<1x125x16x512xf32, #tpu.memory_space<vmem>> -> memref<125x16x512xf32, #tpu.memory_space<vmem>>
    tpu.wait_dma2 semaphore(%dma_wait3A_313 : memref<!tpu.dma_semaphore, #tpu.memory_space<semaphore_mem>>) src(%dma_wait3A_322 : memref<125x16x512xf32, #tpu.memory_space<vmem>>) dst(%dma_wait3A_317 : memref<125x16x512xf32, #tpu.memory_space<any>>)
    %dma_wait3A_323 = arith.constant 1 : i32
    %dma_wait3A_324 = arith.constant 1 : i32
    %dma_wait3A_325 = tpu.memref_slice %arg4[%dma_wait3A_324] : memref<8x!tpu.dma_semaphore, #tpu.memory_space<semaphore_mem>> -> memref<1x!tpu.dma_semaphore, #tpu.memory_space<semaphore_mem>>
    %dma_wait3A_326 = tpu.memref_squeeze %dma_wait3A_325 : memref<1x!tpu.dma_semaphore, #tpu.memory_space<semaphore_mem>> -> memref<!tpu.dma_semaphore, #tpu.memory_space<semaphore_mem>>
    %dma_wait3A_327 = arith.constant 125 : i32
    %dma_wait3A_328 = arith.constant 0 : i32
    %dma_wait3A_329 = arith.constant 0 : i32
    %dma_wait3A_330 = tpu.memref_slice %arg1[%dma_wait3A_327, %dma_wait3A_328, %dma_wait3A_329] : memref<1000x16x512xf32, #tpu.memory_space<any>> -> memref<125x16x512xf32, #tpu.memory_space<any>>
    %dma_wait3A_331 = arith.constant 0 : i32
    %dma_wait3A_332 = arith.constant 0 : i32
    %dma_wait3A_333 = arith.constant 0 : i32
    %dma_wait3A_334 = tpu.memref_slice %arg2[%dma_wait3A_323, %dma_wait3A_331, %dma_wait3A_332, %dma_wait3A_333] : memref<8x125x16x512xf32, #tpu.memory_space<vmem>> -> memref<1x125x16x512xf32, #tpu.memory_space<vmem>>
    %dma_wait3A_335 = tpu.memref_squeeze %dma_wait3A_334 : memref<1x125x16x512xf32, #tpu.memory_space<vmem>> -> memref<125x16x512xf32, #tpu.memory_space<vmem>>
    tpu.wait_dma2 semaphore(%dma_wait3A_326 : memref<!tpu.dma_semaphore, #tpu.memory_space<semaphore_mem>>) src(%dma_wait3A_335 : memref<125x16x512xf32, #tpu.memory_space<vmem>>) dst(%dma_wait3A_330 : memref<125x16x512xf32, #tpu.memory_space<any>>)
    %dma_wait3A_336 = arith.constant 2 : i32
    %dma_wait3A_337 = arith.constant 2 : i32
    %dma_wait3A_338 = tpu.memref_slice %arg4[%dma_wait3A_337] : memref<8x!tpu.dma_semaphore, #tpu.memory_space<semaphore_mem>> -> memref<1x!tpu.dma_semaphore, #tpu.memory_space<semaphore_mem>>
    %dma_wait3A_339 = tpu.memref_squeeze %dma_wait3A_338 : memref<1x!tpu.dma_semaphore, #tpu.memory_space<semaphore_mem>> -> memref<!tpu.dma_semaphore, #tpu.memory_space<semaphore_mem>>
    %dma_wait3A_340 = arith.constant 250 : i32
    %dma_wait3A_341 = arith.constant 0 : i32
    %dma_wait3A_342 = arith.constant 0 : i32
    %dma_wait3A_343 = tpu.memref_slice %arg1[%dma_wait3A_340, %dma_wait3A_341, %dma_wait3A_342] : memref<1000x16x512xf32, #tpu.memory_space<any>> -> memref<125x16x512xf32, #tpu.memory_space<any>>
    %dma_wait3A_344 = arith.constant 0 : i32
    %dma_wait3A_345 = arith.constant 0 : i32
    %dma_wait3A_346 = arith.constant 0 : i32
    %dma_wait3A_347 = tpu.memref_slice %arg2[%dma_wait3A_336, %dma_wait3A_344, %dma_wait3A_345, %dma_wait3A_346] : memref<8x125x16x512xf32, #tpu.memory_space<vmem>> -> memref<1x125x16x512xf32, #tpu.memory_space<vmem>>
    %dma_wait3A_348 = tpu.memref_squeeze %dma_wait3A_347 : memref<1x125x16x512xf32, #tpu.memory_space<vmem>> -> memref<125x16x512xf32, #tpu.memory_space<vmem>>
    tpu.wait_dma2 semaphore(%dma_wait3A_339 : memref<!tpu.dma_semaphore, #tpu.memory_space<semaphore_mem>>) src(%dma_wait3A_348 : memref<125x16x512xf32, #tpu.memory_space<vmem>>) dst(%dma_wait3A_343 : memref<125x16x512xf32, #tpu.memory_space<any>>)
    %dma_wait3A_349 = arith.constant 3 : i32
    %dma_wait3A_350 = arith.constant 3 : i32
    %dma_wait3A_351 = tpu.memref_slice %arg4[%dma_wait3A_350] : memref<8x!tpu.dma_semaphore, #tpu.memory_space<semaphore_mem>> -> memref<1x!tpu.dma_semaphore, #tpu.memory_space<semaphore_mem>>
    %dma_wait3A_352 = tpu.memref_squeeze %dma_wait3A_351 : memref<1x!tpu.dma_semaphore, #tpu.memory_space<semaphore_mem>> -> memref<!tpu.dma_semaphore, #tpu.memory_space<semaphore_mem>>
    %dma_wait3A_353 = arith.constant 375 : i32
    %dma_wait3A_354 = arith.constant 0 : i32
    %dma_wait3A_355 = arith.constant 0 : i32
    %dma_wait3A_356 = tpu.memref_slice %arg1[%dma_wait3A_353, %dma_wait3A_354, %dma_wait3A_355] : memref<1000x16x512xf32, #tpu.memory_space<any>> -> memref<125x16x512xf32, #tpu.memory_space<any>>
    %dma_wait3A_357 = arith.constant 0 : i32
    %dma_wait3A_358 = arith.constant 0 : i32
    %dma_wait3A_359 = arith.constant 0 : i32
    %dma_wait3A_360 = tpu.memref_slice %arg2[%dma_wait3A_349, %dma_wait3A_357, %dma_wait3A_358, %dma_wait3A_359] : memref<8x125x16x512xf32, #tpu.memory_space<vmem>> -> memref<1x125x16x512xf32, #tpu.memory_space<vmem>>
    %dma_wait3A_361 = tpu.memref_squeeze %dma_wait3A_360 : memref<1x125x16x512xf32, #tpu.memory_space<vmem>> -> memref<125x16x512xf32, #tpu.memory_space<vmem>>
    tpu.wait_dma2 semaphore(%dma_wait3A_352 : memref<!tpu.dma_semaphore, #tpu.memory_space<semaphore_mem>>) src(%dma_wait3A_361 : memref<125x16x512xf32, #tpu.memory_space<vmem>>) dst(%dma_wait3A_356 : memref<125x16x512xf32, #tpu.memory_space<any>>)
    %dma_wait3A_362 = arith.constant 4 : i32
    %dma_wait3A_363 = arith.constant 4 : i32
    %dma_wait3A_364 = tpu.memref_slice %arg4[%dma_wait3A_363] : memref<8x!tpu.dma_semaphore, #tpu.memory_space<semaphore_mem>> -> memref<1x!tpu.dma_semaphore, #tpu.memory_space<semaphore_mem>>
    %dma_wait3A_365 = tpu.memref_squeeze %dma_wait3A_364 : memref<1x!tpu.dma_semaphore, #tpu.memory_space<semaphore_mem>> -> memref<!tpu.dma_semaphore, #tpu.memory_space<semaphore_mem>>
    %dma_wait3A_366 = arith.constant 500 : i32
    %dma_wait3A_367 = arith.constant 0 : i32
    %dma_wait3A_368 = arith.constant 0 : i32
    %dma_wait3A_369 = tpu.memref_slice %arg1[%dma_wait3A_366, %dma_wait3A_367, %dma_wait3A_368] : memref<1000x16x512xf32, #tpu.memory_space<any>> -> memref<125x16x512xf32, #tpu.memory_space<any>>
    %dma_wait3A_370 = arith.constant 0 : i32
    %dma_wait3A_371 = arith.constant 0 : i32
    %dma_wait3A_372 = arith.constant 0 : i32
    %dma_wait3A_373 = tpu.memref_slice %arg2[%dma_wait3A_362, %dma_wait3A_370, %dma_wait3A_371, %dma_wait3A_372] : memref<8x125x16x512xf32, #tpu.memory_space<vmem>> -> memref<1x125x16x512xf32, #tpu.memory_space<vmem>>
    %dma_wait3A_374 = tpu.memref_squeeze %dma_wait3A_373 : memref<1x125x16x512xf32, #tpu.memory_space<vmem>> -> memref<125x16x512xf32, #tpu.memory_space<vmem>>
    tpu.wait_dma2 semaphore(%dma_wait3A_365 : memref<!tpu.dma_semaphore, #tpu.memory_space<semaphore_mem>>) src(%dma_wait3A_374 : memref<125x16x512xf32, #tpu.memory_space<vmem>>) dst(%dma_wait3A_369 : memref<125x16x512xf32, #tpu.memory_space<any>>)
    %dma_wait3A_375 = arith.constant 5 : i32
    %dma_wait3A_376 = arith.constant 5 : i32
    %dma_wait3A_377 = tpu.memref_slice %arg4[%dma_wait3A_376] : memref<8x!tpu.dma_semaphore, #tpu.memory_space<semaphore_mem>> -> memref<1x!tpu.dma_semaphore, #tpu.memory_space<semaphore_mem>>
    %dma_wait3A_378 = tpu.memref_squeeze %dma_wait3A_377 : memref<1x!tpu.dma_semaphore, #tpu.memory_space<semaphore_mem>> -> memref<!tpu.dma_semaphore, #tpu.memory_space<semaphore_mem>>
    %dma_wait3A_379 = arith.constant 625 : i32
    %dma_wait3A_380 = arith.constant 0 : i32
    %dma_wait3A_381 = arith.constant 0 : i32
    %dma_wait3A_382 = tpu.memref_slice %arg1[%dma_wait3A_379, %dma_wait3A_380, %dma_wait3A_381] : memref<1000x16x512xf32, #tpu.memory_space<any>> -> memref<125x16x512xf32, #tpu.memory_space<any>>
    %dma_wait3A_383 = arith.constant 0 : i32
    %dma_wait3A_384 = arith.constant 0 : i32
    %dma_wait3A_385 = arith.constant 0 : i32
    %dma_wait3A_386 = tpu.memref_slice %arg2[%dma_wait3A_375, %dma_wait3A_383, %dma_wait3A_384, %dma_wait3A_385] : memref<8x125x16x512xf32, #tpu.memory_space<vmem>> -> memref<1x125x16x512xf32, #tpu.memory_space<vmem>>
    %dma_wait3A_387 = tpu.memref_squeeze %dma_wait3A_386 : memref<1x125x16x512xf32, #tpu.memory_space<vmem>> -> memref<125x16x512xf32, #tpu.memory_space<vmem>>
    tpu.wait_dma2 semaphore(%dma_wait3A_378 : memref<!tpu.dma_semaphore, #tpu.memory_space<semaphore_mem>>) src(%dma_wait3A_387 : memref<125x16x512xf32, #tpu.memory_space<vmem>>) dst(%dma_wait3A_382 : memref<125x16x512xf32, #tpu.memory_space<any>>)
    %dma_wait3A_388 = arith.constant 6 : i32
    %dma_wait3A_389 = arith.constant 6 : i32
    %dma_wait3A_390 = tpu.memref_slice %arg4[%dma_wait3A_389] : memref<8x!tpu.dma_semaphore, #tpu.memory_space<semaphore_mem>> -> memref<1x!tpu.dma_semaphore, #tpu.memory_space<semaphore_mem>>
    %dma_wait3A_391 = tpu.memref_squeeze %dma_wait3A_390 : memref<1x!tpu.dma_semaphore, #tpu.memory_space<semaphore_mem>> -> memref<!tpu.dma_semaphore, #tpu.memory_space<semaphore_mem>>
    %dma_wait3A_392 = arith.constant 750 : i32
    %dma_wait3A_393 = arith.constant 0 : i32
    %dma_wait3A_394 = arith.constant 0 : i32
    %dma_wait3A_395 = tpu.memref_slice %arg1[%dma_wait3A_392, %dma_wait3A_393, %dma_wait3A_394] : memref<1000x16x512xf32, #tpu.memory_space<any>> -> memref<125x16x512xf32, #tpu.memory_space<any>>
    %dma_wait3A_396 = arith.constant 0 : i32
    %dma_wait3A_397 = arith.constant 0 : i32
    %dma_wait3A_398 = arith.constant 0 : i32
    %dma_wait3A_399 = tpu.memref_slice %arg2[%dma_wait3A_388, %dma_wait3A_396, %dma_wait3A_397, %dma_wait3A_398] : memref<8x125x16x512xf32, #tpu.memory_space<vmem>> -> memref<1x125x16x512xf32, #tpu.memory_space<vmem>>
    %dma_wait3A_400 = tpu.memref_squeeze %dma_wait3A_399 : memref<1x125x16x512xf32, #tpu.memory_space<vmem>> -> memref<125x16x512xf32, #tpu.memory_space<vmem>>
    tpu.wait_dma2 semaphore(%dma_wait3A_391 : memref<!tpu.dma_semaphore, #tpu.memory_space<semaphore_mem>>) src(%dma_wait3A_400 : memref<125x16x512xf32, #tpu.memory_space<vmem>>) dst(%dma_wait3A_395 : memref<125x16x512xf32, #tpu.memory_space<any>>)
    %dma_wait3A_401 = arith.constant 7 : i32
    %dma_wait3A_402 = arith.constant 7 : i32
    %dma_wait3A_403 = tpu.memref_slice %arg4[%dma_wait3A_402] : memref<8x!tpu.dma_semaphore, #tpu.memory_space<semaphore_mem>> -> memref<1x!tpu.dma_semaphore, #tpu.memory_space<semaphore_mem>>
    %dma_wait3A_404 = tpu.memref_squeeze %dma_wait3A_403 : memref<1x!tpu.dma_semaphore, #tpu.memory_space<semaphore_mem>> -> memref<!tpu.dma_semaphore, #tpu.memory_space<semaphore_mem>>
    %dma_wait3A_405 = arith.constant 875 : i32
    %dma_wait3A_406 = arith.constant 0 : i32
    %dma_wait3A_407 = arith.constant 0 : i32
    %dma_wait3A_408 = tpu.memref_slice %arg1[%dma_wait3A_405, %dma_wait3A_406, %dma_wait3A_407] : memref<1000x16x512xf32, #tpu.memory_space<any>> -> memref<125x16x512xf32, #tpu.memory_space<any>>
    %dma_wait3A_409 = arith.constant 0 : i32
    %dma_wait3A_410 = arith.constant 0 : i32
    %dma_wait3A_411 = arith.constant 0 : i32
    %dma_wait3A_412 = tpu.memref_slice %arg2[%dma_wait3A_401, %dma_wait3A_409, %dma_wait3A_410, %dma_wait3A_411] : memref<8x125x16x512xf32, #tpu.memory_space<vmem>> -> memref<1x125x16x512xf32, #tpu.memory_space<vmem>>
    %dma_wait3A_413 = tpu.memref_squeeze %dma_wait3A_412 : memref<1x125x16x512xf32, #tpu.memory_space<vmem>> -> memref<125x16x512xf32, #tpu.memory_space<vmem>>
    tpu.wait_dma2 semaphore(%dma_wait3A_404 : memref<!tpu.dma_semaphore, #tpu.memory_space<semaphore_mem>>) src(%dma_wait3A_413 : memref<125x16x512xf32, #tpu.memory_space<vmem>>) dst(%dma_wait3A_408 : memref<125x16x512xf32, #tpu.memory_space<any>>)
    return
  }
}

</mosaic_0001>

<sc_bundles>
// kernel: kernel.4.cloned.1.call-start
scs
__scs_entry_jumppad:
0x0: {  	(pc) =	sbr.rel $0x88, $3  }
0x1: {  	(tag) =	ssettag $0x0;
	lr =	simm.s32 $0x1  }
0x2: {  	[smem:$0x3FA0] =	sst lr;
	_ =	strace $0xD0000000  }
0x3: {  	_ = 	snop  }
0x4: {  	_ = 	snop  }
0x5: {  	_ = 	snop  }
0x6: {  	_ = 	snop  }
0x7: {  	_ = 	snop  }
__scs_overlays_trampoline_lowered:
0x8: {  	[smem:$0x3FAF] =	sst s0  }
0x9: {  	[smem:$0x3FB0] =	sst s1  }
0xa: {  	[smem:$0x3FB1] =	sst s2  }
0xb: {  	[smem:$0x3FB2] =	sst s3  }
0xc: {  	[smem:$0x3FB3] =	sst s4  }
0xd: {  	[smem:$0x3FB4] =	sst s5  }
0xe: {  	[smem:$0x3FB5] =	sst s6  }
0xf: {  	[smem:$0x3FB6] =	sst s7  }
0x10: {  	[smem:$0x3FB7] =	sst s8  }
0x11: {  	[smem:$0x3FB8] =	sst s9;
	s0 =	simm.s32 @!p0 $0x0  }
0x12: {  	s1 =	sld [smem:$0x3F9E];
	s0 =	simm.s32 @p0 $0x1  }
0x13: {  	[smem:$0x3FB9] =	sst s0;
	s0 =	simm.s32 @!p1 $0x0  }
0x14: {  	s2 =	sld [smem:$0x3F9D];
	s0 =	simm.s32 @p1 $0x1  }
0x15: {  	[smem:$0x3FBA] =	sst s0;
	s0 =	simm.s32 @!p2 $0x0  }
0x16: {  	s3 =	sld [smem:$0x3FDB];
	s0 =	simm.s32 @p2 $0x1  }
0x17: {  	s4 =	simm.s32 $0x1BF5;
	[smem:$0x3FBC] =	sst s0  }
0x18: {  	s0 =	sld [smem:$0x3F9F];
	_ =	swait.ge [sflag:s4], $0x0  }
0x19: {  	s7 =	sld [smem:$0x3FA0]  }
0x1a: {  	s8 =	sadd.s32 $0xFFFFE003, lr  }
0x1b: {  	s9 =	sadd.s32 $0xFFFFFEF7, lr;
	s5 =	simm.s32 $0xFFFFFFFF;
	p2 =	slt.u32 s8, $0xFFFFF086  }
0x1c: {  	p1 =	slt.u32 s9, $0xF7A;
	s5 =	simm.s32 @!p2 $0x0  }
0x1d: {  	s5 =	simm.s32 @p1 $0x1;
	p0 =	seq.s32 s7, s2  }
0x1e: {  	s7 =	smul.u32 @!p0 $0xF7A, s2;
	p2 =	seq.s32 @!p0 s5, $0x0  }
0x1f: {  	s9 =	smul.u32 $0xF7A, s1;
	s8 =	simm.s32 @!p0 $0x1BF5;
	p2 =	por !p2, p0  }
0x20: {  	[sflag:s8] =	ssyncset.s32 @!p0 $0xFFFFF086;
	s6 =	sadd.s32 @!p0 s3, s7;
	s7 =	simm.s32 @!p0 $0x108  }
0x21: {  	s3 =	sadd.s32 s3, s9;
	s6 =	sadd.s32 @!p0 $0x88, s6;
	s7 =	simm.s32 @p2 $0x1082  }
0x22: {  	[simem:s7], [sflag:s8] =	dma.local @!p0 [hbm:s6], $0xF7A  }
0x23: {  	s9 =	sor.u32 $0xD0000000, s2;
	s6 =	simm.s32 $0x108;
	_ =	swait.ge @!p0 [sflag:s8], $0x0  }
0x24: {  	s3 =	sadd.s32 $0x88, s3;
	s6 =	simm.s32 @!p1 $0x1082;
	[sflag:s4] =	ssyncset.s32 $0xFFFFF086  }
0x25: {  	[simem:s6], [sflag:s4] =	dma.local [hbm:s3], $0xF7A  }
0x26: {  	[smem:$0x3FA0] =	sst s1;
	(tag) =	ssettag s2;
	_ =	strace s9  }
0x27: {  	s1 =	sld [smem:$0x3FB0]  }
0x28: {  	s2 =	sld [smem:$0x3FB1]  }
0x29: {  	s4 =	sld [smem:$0x3FB3]  }
0x2a: {  	p0 =	seq.s32 s5, $0x0;
	s5 =	sld [smem:$0x3FB4]  }
0x2b: {  	s6 =	sld [smem:$0x3FB5]  }
0x2c: {  	s7 =	sld [smem:$0x3FB6]  }
0x2d: {  	s3 =	simm.s32 $0x108;
	s8 =	sld [smem:$0x3FB7]  }
0x2e: {  	s3 =	simm.s32 @!p0 $0x1082;
	s9 =	sld [smem:$0x3FB8]  }
0x2f: {  	lr =	sadd.s32 s0, s3;
	s0 =	sld [smem:$0x3FAF]  }
0x30: {  	s3 =	sld [smem:$0x3FB2]  }
0x31: {  	[smem:$0x3FBB] =	sst s10  }
0x32: {  	s10 =	sld [smem:$0x3FB9];
	_ =	sdelay $0x3  }
0x33: {  	p0 =	seq.s32 s10, $0x1;
	s10 =	sld [smem:$0x3FBB];
	_ =	sdelay $0x3  }
0x34: {  	[smem:$0x3FBB] =	sst s10  }
0x35: {  	s10 =	sld [smem:$0x3FBA];
	_ =	sdelay $0x3  }
0x36: {  	p1 =	seq.s32 s10, $0x1;
	s10 =	sld [smem:$0x3FBB];
	_ =	sdelay $0x3  }
0x37: {  	[smem:$0x3FBB] =	sst s10  }
0x38: {  	s10 =	sld [smem:$0x3FBC]  }
0x39: {  	_ = 	snop;
	(pc) =	sbr.ind lr, $3  }
0x3a: {  	_ = 	snop  }
0x3b: {  	_ = 	snop  }
0x3c: {  	p2 =	seq.s32 s10, $0x1;
	s10 =	sld [smem:$0x3FBB]  }
0x3d: {  	_ =	shalt  }
0x3e: {  	_ =	shalt  }
0x3f: {  	_ =	shalt  }
0x40: {  	_ =	shalt  }
0x41: {  	_ =	shalt  }
0x42: {  	_ =	shalt  }
0x43: {  	_ =	shalt  }
0x44: {  	_ =	shalt  }
0x45: {  	_ =	shalt  }
0x46: {  	_ =	shalt  }
0x47: {  	_ =	shalt  }
0x48: {  	_ =	shalt  }
0x49: {  	_ =	shalt  }
0x4a: {  	_ =	shalt  }
0x4b: {  	_ =	shalt  }
0x4c: {  	_ =	shalt  }
0x4d: {  	_ =	shalt  }
0x4e: {  	_ =	shalt  }
0x4f: {  	_ =	shalt  }
0x50: {  	_ =	shalt  }
0x51: {  	_ =	shalt  }
0x52: {  	_ =	shalt  }
0x53: {  	_ =	shalt  }
0x54: {  	_ =	shalt  }
0x55: {  	_ =	shalt  }
0x56: {  	_ =	shalt  }
0x57: {  	_ =	shalt  }
0x58: {  	_ =	shalt  }
0x59: {  	_ =	shalt  }
0x5a: {  	_ =	shalt  }
0x5b: {  	_ =	shalt  }
0x5c: {  	_ =	shalt  }
0x5d: {  	_ =	shalt  }
0x5e: {  	_ =	shalt  }
0x5f: {  	_ =	shalt  }
0x60: {  	_ =	shalt  }
0x61: {  	_ =	shalt  }
0x62: {  	_ =	shalt  }
0x63: {  	_ =	shalt  }
0x64: {  	_ =	shalt  }
0x65: {  	_ =	shalt  }
0x66: {  	_ =	shalt  }
0x67: {  	_ =	shalt  }
0x68: {  	_ =	shalt  }
0x69: {  	_ =	shalt  }
0x6a: {  	_ =	shalt  }
0x6b: {  	_ =	shalt  }
0x6c: {  	_ =	shalt  }
0x6d: {  	_ =	shalt  }
0x6e: {  	_ =	shalt  }
0x6f: {  	_ =	shalt  }
0x70: {  	_ =	shalt  }
0x71: {  	_ =	shalt  }
0x72: {  	_ =	shalt  }
0x73: {  	_ =	shalt  }
0x74: {  	_ =	shalt  }
0x75: {  	_ =	shalt  }
0x76: {  	_ =	shalt  }
0x77: {  	_ =	shalt  }
0x78: {  	_ =	shalt  }
0x79: {  	_ =	shalt  }
0x7a: {  	_ =	shalt  }
0x7b: {  	_ =	shalt  }
0x7c: {  	_ =	shalt  }
0x7d: {  	_ =	shalt  }
0x7e: {  	_ =	shalt  }
0x7f: {  	_ =	shalt  }
0x80: {  	_ =	shalt  }
0x81: {  	_ =	shalt  }
0x82: {  	_ =	shalt  }
0x83: {  	_ =	shalt  }
0x84: {  	_ =	shalt  }
0x85: {  	_ =	shalt  }
0x86: {  	_ =	shalt  }
0x87: {  	_ =	shalt  }
.Lfunc_end0:
.L_simem_size_0:
called_computation_lowered:
.L_overlay_start_0:
0x88: {  	s2 =	sld [smem:$0x3FD9]  }
0x89: {  	s3 =	sld [smem:$0x3FFE];
	_ =	sdelay $0x1  }
0x8a: {  	s1 =	srdreg.scid  }
0x8b: {  	s0 =	sand.u32 $0x1, s1  }
0x8c: {  	s15 =	sshll.u32 s0, $0xA;
	s2 =	sadd.s32 s3, s2  }
0x8d: {  	s2 =	sadd.s32 s2, s15  }
0x8e: {  	[smem:$0x3FC7] =	sst s2  }
0x8f: {  	_ = 	snop  }
0x90: {  	s2 =	sld [smem:$0x3FD0];
	_ =	sdelay $0x2  }
0x91: {  	s16 =	simm.s32 $0xA;
	s4 =	simm.s32 $0x10  }
0x92: {  	[smem:s4], [sflag:s16] =	dma.local [hbm:s2], $0x1  }
0x93: {  	_ =	swait.eq [sflag:s16], $0x1  }
0x94: {  	[sflag:s16] =	ssyncset.done $0x0  }
0x95: {  	[sflag:s16] =	ssyncadd.s32 $0xFFFFFFFF  }
0x96: {  	s17 =	sld [smem:$0x11];
	(tm) =	ssettm $0x1  }
0x97: {  	s18 =	sld [smem:$0x3FFB];
	_ =	sdelay $0x3  }
0x98: {  	_ =	strace s18  }
0x99: {  	s3 =	sld [smem:$0x3FFC];
	_ =	sdelay $0x3  }
0x9a: {  	_ =	strace s3  }
0x9b: {  	s3 =	sld [smem:$0x3FFD];
	_ =	sdelay $0x3  }
0x9c: {  	_ =	strace s3  }
0x9d: {  	_ =	strace $0x8FFFFFFF  }
0x9e: {  	s19 =	sld [smem:$0x3FDB];
	_ =	sdelay $0x1  }
0x9f: {  	s20 =	simm.s32 $_scs_section_size  }
0xa0: {  	s5 =	simm.s32 $_size__tile_overlayer_lowered;
	s6 =	simm.s32 $_tile_overlayer_lowered  }
0xa1: {  	s23 =	simm.s32 $0x1BFF;
	s22 =	sshll.u32 s6, $0x1;
	s3 =	sadd.s32 s20, s19  }
0xa2: {  	s7 =	simm.s32 $0x0;
	s21 =	sshll.u32 s5, $0x1;
	s5 =	sadd.s32 s22, s3  }
0xa3: {  	[timem:s7], [sflag:s23] =	dma.local [hbm:s5], s21  }
0xa4: {  	_ =	swait.ge [sflag:s23], s21  }
0xa5: {  	s4 =	ssub.s32 $0x0, s21;
	[sflag:s23] =	ssyncset.done $0x0  }
0xa6: {  	[sflag:s23] =	ssyncadd.s32 s4;
	_ =	sdelay $0x1  }
0xa7: {  	s24 =	simm.s32 $0x1B8B  }
0xa8: {  	_ =	swait.ge [sflag:s24], $0x1  }
0xa9: {  	[sflag:s24] =	ssyncset.done $0x0  }
0xaa: {  	s25 =	simm.s32 $0x1B8E;
	[sflag:s24] =	ssyncadd.s32 $0xFFFFFFFF  }
0xab: {  	s26 =	simm.s32 $execute0_lowered;
	[smem:$0x3FD2] =	sst s25  }
0xac: {  	s4 =	sshll.u32 s26, $0x1;
	_ =	strace $0x80000046;
	[dreg:$0x1] =	wrdreg $0xFFFFFFFF  }
0xad: {  	s28 =	simm.s32 $_size_execute0_lowered;
	s3 =	sadd.s32 s3, s4;
	[dreg:$0x0] =	wrdreg $0x0  }
0xae: {  	s4 =	sshll.u32 s28, $0x1;
	[dreg:$0x2] =	wrdreg s3  }
0xaf: {  	[dreg:$0x3] =	wrdreg s4  }
0xb0: {  	[dreg:$0x4] =	wrdreg $0xC0  }
0xb1: {  	_ =	task [dreg:s7], $0x5FFFF  }
0xb2: {  	[dreg:$0x1] =	wrdreg $0xFFFFFFFF  }
0xb3: {  	[dreg:$0x0] =	wrdreg $0x60  }
0xb4: {  	[dreg:$0x2] =	wrdreg s17  }
0xb5: {  	[dreg:$0x3] =	wrdreg $0x9  }
0xb6: {  	_ =	task.clear_ibuf [dreg:s7], $0x4FFFF;
	_ =	strace $0x90000046  }
0xb7: {  	s29 =	simm.s32 $0x9;
	_ =	strace $0x80000048  }
0xb8: {  	_ =	swait.ge [sflag:s29], $0x1  }
0xb9: {  	[sflag:s29] =	ssyncadd.s32 $0xFFFFFFFF  }
0xba: {  	_ =	strace $0x90000048  }
0xbb: {  	_ =	sfence  }
0xbc: {  	s30 =	sld [smem:$0x0];
	_ =	sdelay $0x2  }
0xbd: {  	s31 =	sshll.u32 s1, $0xD;
	s1 =	sshrl.u32 s1, $0x2  }
0xbe: {  	s3 =	sand.u32 $0x4000, s31;
	s1 =	sadd.s32 s1, s30  }
0xbf: {  	s0 =	sor.u32 s3, s0;
	s1 =	sshll.u32 s1, $0x11  }
0xc0: {  	s0 =	sor.u32 s1, s0  }
0xc1: {  	s0 =	sadd.s32 $0x8F2B, s0  }
0xc2: {  	[sflag:s0] =	ssyncadd.remote.s32 $0x1  }
0xc3: {  	_ =	sfence.sel $0xFFFF  }
0xc4: {  	[dreg:$0x0] =	wrdreg $0xFFFFFFFF;
	(pc) =	sbr.abs _section_cstart, $3  }
0xc5: {  	[dreg:$0x1] =	wrdreg $0xFFFFFFFF  }
0xc6: {  	_ =	task.clear_ibuf [dreg:s7], $0x2FFFF;
	_ =	strace $0x9FFFFFFF  }
0xc7: {  	(tm) =	ssettm $0x7FFFFFFF  }
tec
execute0_lowered:
.L_overlay_start_1:
0x0: {  	(tag) =	ssettag $0x1  }
0x1: {  	s1 =	srdreg.scid;
	s0 =	stileid.u32  }
0x2: {  	s4 =	sand.u32 $0x1, s1;
	s24 =	sshll.u32 s0, $0x1  }
0x3: {  	s3 =	sor.u32 s4, s24  }
0x4: {  	s2 =	rddreg [dreg:$0x0];
	s6 =	simm.s32 $0x0;
	s5 =	sshll.u32 s3, $0x5  }
0x5: {  	[smem:$0x7FF] =	sst s6;
	s16 =	sshllo.u32 s3, $0x5;
	v15 =	vmov s5  }
0x6: {  	s1 =	rddreg [dreg:$0x1];
	_ =	strace $0x80000047;
	s25 =	sor.u32 $0x2, s5;
	v16 =	vmov s16;
	[tilespmem:$0x0] =	vst v15  }
0x7: {  	s26 =	sor.u32 $0x3, s5;
	v0 =	vmov s25;
	[tilespmem:$0x1F0] =	vst v16  }
0x8: {  	s28 =	sor.u32 $0x4, s5;
	v1 =	vmov s26;
	[tilespmem:$0x20] =	vst v0  }
0x9: {  	s29 =	sor.u32 $0x5, s5;
	v2 =	vmov s28;
	[tilespmem:$0x30] =	vst v1  }
0xa: {  	s30 =	sor.u32 $0x6, s5;
	v3 =	vmov s29;
	[tilespmem:$0x40] =	vst v2  }
0xb: {  	s31 =	sor.u32 $0x7, s5;
	v4 =	vmov s30;
	[tilespmem:$0x50] =	vst v3  }
0xc: {  	s7 =	sor.u32 $0x8, s5;
	v5 =	vmov s31;
	[tilespmem:$0x60] =	vst v4  }
0xd: {  	s8 =	sor.u32 $0x9, s5;
	v6 =	vmov s7;
	[tilespmem:$0x70] =	vst v5  }
0xe: {  	s9 =	sor.u32 $0xA, s5;
	v7 =	vmov s8;
	[tilespmem:$0x80] =	vst v6  }
0xf: {  	s10 =	sor.u32 $0xB, s5;
	v8 =	vmov s9;
	[tilespmem:$0x90] =	vst v7  }
0x10: {  	s11 =	sor.u32 $0xC, s5;
	v9 =	vmov s10;
	[tilespmem:$0xA0] =	vst v8  }
0x11: {  	s12 =	sor.u32 $0xD, s5;
	v10 =	vmov s11;
	[tilespmem:$0xB0] =	vst v9  }
0x12: {  	s13 =	sor.u32 $0xE, s5;
	v11 =	vmov s12;
	[tilespmem:$0xC0] =	vst v10  }
0x13: {  	s14 =	sor.u32 $0xF, s5;
	v12 =	vmov s13;
	[tilespmem:$0xD0] =	vst v11  }
0x14: {  	s15 =	sor.u32 $0x10, s5;
	v13 =	vmov s14;
	[tilespmem:$0xE0] =	vst v12  }
0x15: {  	s17 =	sor.u32 $0x1D, s5;
	v14 =	vmov s15;
	[tilespmem:$0xF0] =	vst v13  }
0x16: {  	s18 =	sor.u32 $0x1C, s5;
	v18 =	vmov s17;
	[tilespmem:$0x100] =	vst v14  }
0x17: {  	s19 =	sor.u32 $0x1B, s5;
	v19 =	vmov s18;
	[tilespmem:$0x1D0] =	vst v18  }
0x18: {  	s20 =	sor.u32 $0x1A, s5;
	v20 =	vmov s19;
	[tilespmem:$0x1C0] =	vst v19  }
0x19: {  	s21 =	sor.u32 $0x19, s5;
	v21 =	vmov s20;
	[tilespmem:$0x1B0] =	vst v20  }
0x1a: {  	s22 =	sor.u32 $0x18, s5;
	v22 =	vmov s21;
	[tilespmem:$0x1A0] =	vst v21  }
0x1b: {  	s23 =	sor.u32 $0x17, s5;
	v23 =	vmov s22;
	[tilespmem:$0x190] =	vst v22  }
0x1c: {  	s24 =	sor.u32 $0x16, s5;
	v24 =	vmov s23;
	[tilespmem:$0x180] =	vst v23  }
0x1d: {  	s7 =	sor.u32 $0x1E, s5;
	v25 =	vmov s24;
	[tilespmem:$0x170] =	vst v24  }
0x1e: {  	s25 =	sor.u32 $0x15, s5;
	v17 =	vmov s7;
	[tilespmem:$0x160] =	vst v25  }
0x1f: {  	s26 =	sor.u32 $0x14, s5;
	v26 =	vmov s25;
	[tilespmem:$0x1E0] =	vst v17  }
0x20: {  	s28 =	sor.u32 $0x13, s5;
	v27 =	vmov s26;
	[tilespmem:$0x150] =	vst v26  }
0x21: {  	s29 =	sor.u32 $0x12, s5;
	v28 =	vmov s28;
	[tilespmem:$0x140] =	vst v27  }
0x22: {  	s4 =	ssub.s32 $0x2, s4;
	s30 =	sor.u32 $0x11, s5;
	v29 =	vmov s29;
	[tilespmem:$0x130] =	vst v28  }
0x23: {  	s31 =	sshrl.u32 s4, $0x1;
	s5 =	sor.u32 $0x1, s5;
	v30 =	vmov s30;
	[tilespmem:$0x120] =	vst v29  }
0x24: {  	p0 =	seq.s32 s3, $0x1F;
	s7 =	ssub.s32 s4, s31;
	v31 =	vmov s5;
	[tilespmem:$0x110] =	vst v30  }
0x25: {  	s4 =	sadd.s32 $0x7C0, s2;
	s5 =	simm.s32 @p0 $0x0;
	[tilespmem:$0x10] =	vst v31;
	s7 =	smax.u32 s7, $0x1  }
0x26: {  	[hbm4b:s4+s5] =	stream.linear.scatter @p0 [tilespmem:s5], [sflag:$0x1], $0x80, $0x38;
	[tilespmem:$0x200] =	vst v63  }
0x27: {  	s6 =	simm.s32 @p0 $0x1;
	s7 =	sadd.s32 $0xFFFFFFFF, s7  }
0x28: {  	s3 =	sshll.u32 s3, $0x6;
	_ =	swait.ge @p0 [sflag:s6], $0x80;
	p1 =	sne.s32 s7, $0x0  }
.Ltmp0:
0x29: {  	s8 =	simm.s32 @!p0 $0x0;
	[sflag:s6] =	ssyncset.done @p0 $0x0;
	(pc) =	sbr.rel @!p1 .LBB2_2-.Ltmp0, $4  }
0x2a: {  	s2 =	sadd.s32 s2, s3;
	s3 =	simm.s32 @!p0 $0x1;
	[sflag:s6] =	ssyncadd.s32 @p0 $0xFFFFFF80  }
0x2b: {  	[hbm4b:s2+s8] =	stream.linear.scatter @!p0 [tilespmem:s8], [sflag:$0x1], $0x200, $0x38;
	[tilespmem:$0x200] =	vst v63  }
0x2c: {  	_ =	swait.ge @!p0 [sflag:s3], $0x200  }
0x2d: {  	[sflag:s3] =	ssyncset.done @!p0 $0x0  }
.LBB2_1:
0x2e: {  	s7 =	sadd.s32 $0xFFFFFFFF, s7;
	[sflag:s3] =	ssyncadd.s32 @!p0 $0xFFFFFE00  }
0x2f: {  	[tilespmem:$0x20] =	vst v0;
	p1 =	sne.s32 s7, $0x0  }
0x30: {  	[tilespmem:$0x30] =	vst v1  }
0x31: {  	[tilespmem:$0x40] =	vst v2  }
0x32: {  	[tilespmem:$0x50] =	vst v3  }
0x33: {  	[tilespmem:$0x60] =	vst v4  }
0x34: {  	[tilespmem:$0x70] =	vst v5  }
0x35: {  	[tilespmem:$0x80] =	vst v6  }
0x36: {  	[tilespmem:$0x90] =	vst v7  }
0x37: {  	[tilespmem:$0xA0] =	vst v8  }
0x38: {  	[tilespmem:$0xB0] =	vst v9  }
0x39: {  	[tilespmem:$0xC0] =	vst v10  }
0x3a: {  	[tilespmem:$0xD0] =	vst v11  }
0x3b: {  	[tilespmem:$0xE0] =	vst v12  }
0x3c: {  	[tilespmem:$0xF0] =	vst v13  }
0x3d: {  	[tilespmem:$0x100] =	vst v14  }
0x3e: {  	[tilespmem:$0x0] =	vst v15  }
0x3f: {  	[tilespmem:$0x1F0] =	vst v16  }
0x40: {  	[tilespmem:$0x1E0] =	vst v17  }
0x41: {  	[tilespmem:$0x1D0] =	vst v18  }
0x42: {  	[tilespmem:$0x1C0] =	vst v19  }
0x43: {  	[tilespmem:$0x1B0] =	vst v20  }
0x44: {  	[tilespmem:$0x1A0] =	vst v21  }
0x45: {  	[tilespmem:$0x190] =	vst v22  }
0x46: {  	[tilespmem:$0x180] =	vst v23  }
0x47: {  	[tilespmem:$0x170] =	vst v24  }
0x48: {  	[tilespmem:$0x160] =	vst v25  }
0x49: {  	[tilespmem:$0x150] =	vst v26  }
0x4a: {  	[tilespmem:$0x140] =	vst v27  }
0x4b: {  	[tilespmem:$0x130] =	vst v28  }
0x4c: {  	[tilespmem:$0x120] =	vst v29  }
0x4d: {  	[tilespmem:$0x110] =	vst v30  }
0x4e: {  	[tilespmem:$0x10] =	vst v31  }
0x4f: {  	[hbm4b:s4+s5] =	stream.linear.scatter @p0 [tilespmem:s5], [sflag:$0x1], $0x80, $0x38;
	[tilespmem:$0x200] =	vst v63  }
0x50: {  	_ =	swait.ge @p0 [sflag:s6], $0x80  }
.Ltmp1:
0x51: {  	[sflag:s6] =	ssyncset.done @p0 $0x0;
	(pc) =	sbr.rel @p1 .LBB2_1-.Ltmp1, $4  }
0x52: {  	[sflag:s6] =	ssyncadd.s32 @p0 $0xFFFFFF80  }
0x53: {  	[hbm4b:s2+s8] =	stream.linear.scatter @!p0 [tilespmem:s8], [sflag:$0x1], $0x200, $0x38;
	[tilespmem:$0x200] =	vst v63  }
0x54: {  	_ =	swait.ge @!p0 [sflag:s3], $0x200  }
0x55: {  	[sflag:s3] =	ssyncset.done @!p0 $0x0  }
.LBB2_2:
0x56: {  	[sflag:s3] =	ssyncadd.s32 @!p0 $0xFFFFFE00  }
0x57: {  	_ =	sfence.sel $0x180000  }
0x58: {  	[bflag:$0x0] =	sbarrier.arrive $0xFFFF  }
0x59: {  	p0 =	sne.s32 s0, $0x0;
	_ =	strace $0x90000047  }
0x5a: {  	s0 =	sadd.s32 @!p0 $0x100000, s1;
	[bflag:$0x2] =	sbarrier.arrive $0xFFFF  }
0x5b: {  	[sflag:s0] =	ssyncadd.tile.s32 @!p0 $0x1;
	_ =	shalt  }
.Lfunc_end2:
_tile_overlayer_lowered:
.L_overlay_start_2:
0x5c: {  	(tag) =	ssettag $0x2  }
0x5d: {  	s0 =	rddreg [dreg:$0x0];
	s2 =	stileid.u32  }
0x5e: {  	s1 =	rddreg [dreg:$0x1];
	p0 =	sne.s32 s2, $0x0  }
0x5f: {  	s3 =	rddreg [dreg:$0x2];
	[bflag:$0x3] =	sbarrier.arrive $0xFFFF;
	s2 =	simm.s32 @!p0 $0x1C01  }
0x60: {  	[timem:s3], [sflag:s2] =	dma.local @!p0 [hbm:s0], s1  }
0x61: {  	s0 =	simm.s32 @!p0 $0x1  }
0x62: {  	_ =	swait.ge @!p0 [sflag:s0], s1  }
0x63: {  	s1 =	ssub.s32 @!p0 $0x0, s1;
	[sflag:s0] =	ssyncset.done @!p0 $0x0  }
0x64: {  	[sflag:s0] =	ssyncadd.s32 @!p0 s1  }
0x65: {  	[bflag:$0x3] =	sbarrier.arrive $0xFFFF  }
0x66: {  	_ =	shalt  }

</sc_bundles>
